<compile_context>
chip_gen: v7x
topology: tpu7x:2x2x1
jax: 0.10.2.dev20260603
libtpu: 0.0.44.dev20260713+nightly
codegen_flags: <defaults>
</compile_context>

<pallas_src>
import functools

import jax
import jax.numpy as jnp
from jax import lax
from jax.experimental import pallas as pl
from jax.experimental.pallas import tpu as pltpu
from jax.experimental.pallas import tpu_sc as plsc

_B, _L, _DIM, _N_EMBED = 8, 1024, 256, 8192
_TBLK = 1024
_CCHUNK = 1024
_NCHUNK = _N_EMBED // _CCHUNK


def _argmin_kernel(x_ref, emb_ref, idx_ref, best_ref, e2_ref):
    @pl.when(pl.program_id(0) == 0)
    def _():
        for c in range(_NCHUNK):
            e = emb_ref[:, c * _CCHUNK:(c + 1) * _CCHUNK]
            e2_ref[:, c * _CCHUNK:(c + 1) * _CCHUNK] = jnp.sum(
                e * e, axis=0, keepdims=True)

    x = x_ref[...]
    x2 = x + x
    z2 = jnp.sum(x * x, axis=1, keepdims=True)
    best_d = jnp.full((_TBLK, 1), jnp.inf, jnp.float32)
    best_i = jnp.full((_TBLK, 1), 0.0, jnp.float32)
    ii = lax.broadcasted_iota(
        jnp.int32, (_TBLK, _CCHUNK), 1).astype(jnp.float32)
    for c in range(_NCHUNK):
        e = emb_ref[:, c * _CCHUNK:(c + 1) * _CCHUNK]
        m2 = lax.dot_general(
            x2, e, (((1,), (0,)), ((), ())),
            preferred_element_type=jnp.float32,
            precision=lax.Precision.DEFAULT,
        )
        e2 = e2_ref[:, c * _CCHUNK:(c + 1) * _CCHUNK]
        d = (z2 - m2) + e2
        loc_min = jnp.min(d, axis=1, keepdims=True)
        cand = jnp.where(d == loc_min, ii, jnp.inf)
        loc_arg = jnp.min(cand, axis=1, keepdims=True) + float(c * _CCHUNK)
        upd = loc_min < best_d
        best_i = jnp.where(upd, loc_arg, best_i)
        best_d = jnp.where(upd, loc_min, best_d)
    idx_ref[0, :, :] = best_i.astype(jnp.int32)
    best_ref[0, :, :] = best_d


def _tc_argmin(xf, embed):
    n_blocks = (_B * _L) // _TBLK
    idx, best = pl.pallas_call(
        _argmin_kernel,
        grid=(n_blocks,),
        in_specs=[
            pl.BlockSpec((_TBLK, _DIM), lambda i: (i, 0)),
            pl.BlockSpec((_DIM, _N_EMBED), lambda i: (0, 0)),
        ],
        out_specs=[
            pl.BlockSpec((1, _TBLK, 1), lambda i: (i, 0, 0)),
            pl.BlockSpec((1, _TBLK, 1), lambda i: (i, 0, 0)),
        ],
        out_shape=[
            jax.ShapeDtypeStruct((n_blocks, _TBLK, 1), jnp.int32),
            jax.ShapeDtypeStruct((n_blocks, _TBLK, 1), jnp.float32),
        ],
        scratch_shapes=[pltpu.VMEM((1, _N_EMBED), jnp.float32)],
    )(xf, embed)
    return idx, best


def _make_sc_gather(n_tokens, dim):
    info = plsc.get_sparse_core_info()
    nw = info.num_cores * info.num_subcores
    b_per_w = n_tokens // nw
    mesh = plsc.VectorSubcoreMesh(core_axis_name="c", subcore_axis_name="s")

    @functools.partial(
        pl.kernel,
        mesh=mesh,
        out_type=jax.ShapeDtypeStruct((n_tokens, dim), jnp.float32),
        scratch_types=[
            pltpu.VMEM((b_per_w,), jnp.int32),
            pltpu.VMEM((b_per_w, dim), jnp.float32),
            pltpu.SemaphoreType.DMA,
        ],
    )
    def gather(table_hbm, idx_hbm, out_hbm, idx_v, rows_v, sem):
        wid = lax.axis_index("s") * info.num_cores + lax.axis_index("c")
        base = wid * b_per_w
        pltpu.sync_copy(idx_hbm.at[pl.ds(base, b_per_w)], idx_v)
        pltpu.async_copy(table_hbm.at[idx_v], rows_v, sem).wait()
        pltpu.sync_copy(rows_v, out_hbm.at[pl.ds(base, b_per_w)])

    return gather


_sc_gather = None


def kernel(x, embed):
    global _sc_gather
    if _sc_gather is None:
        _sc_gather = _make_sc_gather(_B * _L, _DIM)
    xf = x.reshape(_B * _L, _DIM)
    idx3, best3 = _tc_argmin(xf, embed)
    idx = idx3.reshape(_B * _L)
    quant = _sc_gather(embed.T, idx)
    quantize = quant.reshape(_B, _L, _DIM)
    diff = jnp.sum(best3) / (_B * _L * _DIM)
    embed_ind = idx.reshape(_B, _L)
    return quantize, diff, embed_ind

# --- scband reference (transcript-rebuilt; emitter-appended) ---
"""Pipeline reference for scband-vector-quantization-12395275616491 (READ-ONLY COPY).

The authoritative reference and input builder live on the scoring server;
editing this copy changes nothing except your own understanding.
"""

import jax, jax.numpy as jnp
import numpy as np

B, L, DIM, N_EMBED = 8, 1024, 256, 8192


def setup_inputs(seed: int = 0) -> dict:
    key = jax.random.key(seed)
    k1, k2 = jax.random.split(key)
    x = jax.random.normal(k1, (B, L, DIM), dtype=jnp.float32)
    # buffer 'embed' registered as torch.randn((dim, n_embed))
    embed = jax.random.normal(k2, (DIM, N_EMBED), dtype=jnp.float32)
    return {"x": x, "embed": embed}


def reference(x, embed):
    # Eval-mode forward of VectorQuantization (no EMA buffer updates,
    # balancing heuristic inactive since codes_full=False at init,
    # return_soft_codes=False, new_return_order=False).
    batch_size, length, dim = x.shape
    flatten = x.reshape((batch_size * length, dim))
    # Squared-euclidean distance to each codebook column:
    # ||z||^2 - 2 z.E + ||e||^2  (intended VQ distance; torch source's
    # x.pow(2).sum(dim=1) / embed.pow(2).sum(dim=1) axes only broadcast for
    # degenerate shapes, so the mathematically intended axes are used here).
    dist = (
        jnp.sum(flatten ** 2, axis=1, keepdims=True)
        - 2.0 * jnp.matmul(flatten, embed)
        + jnp.sum(embed ** 2, axis=0, keepdims=True)
    )
    soft_codes = -dist
    embed_ind = jnp.argmax(soft_codes, axis=1)
    # embed_code: F.embedding(idx, embed.T)
    quantize = jnp.take(embed.T, embed_ind.reshape((batch_size, length)), axis=0)
    diff = jnp.mean((jax.lax.stop_gradient(quantize) - x) ** 2)
    # straight-through estimator
    quantize = x + jax.lax.stop_gradient(quantize - x)
    embed_ind = embed_ind.reshape((batch_size, length))
    return (quantize, diff, embed_ind)

if __name__ == "__main__":
    import jax
    _d = setup_inputs()
    print(jax.jit(kernel)(*tuple(_d.values())))

</pallas_src>

<mosaic_0001>
#map = affine_map<(d0, d1) -> (0, 0)>
#map1 = affine_map<(d0, d1) -> (0)>
module attributes {stable_mosaic.version = 14 : i64} {
  func.func @gather(%arg0: i32, %arg1: i32, %arg2: memref<8192x256xf32, #tpu.memory_space<hbm>>, %arg3: memref<8192xi32, #tpu.memory_space<hbm>>, %arg4: memref<8192x256xf32, #tpu.memory_space<hbm>>, %arg5: memref<256xi32, #tpu.memory_space<vmem>>, %arg6: memref<256x256xf32, #tpu.memory_space<vmem>>, %arg7: memref<!tpu.dma_semaphore, #tpu.memory_space<semaphore_mem>>) attributes {dimension_semantics = [#tpu.dimension_semantics<core_parallel>, #tpu.dimension_semantics<subcore_parallel>], iteration_bounds = array<i64: 2, 16>, scalar_prefetch = 0 : i64, scratch_operands = 3 : i64, tpu.core_type = #tpu.core_type<sc_vector_subcore>, window_params = [{transform_indices = #map}, {transform_indices = #map1}, {transform_indices = #map}]} {
    %mul3A = arith.constant 2 : i32
    %mul3A_0 = arith.muli %arg1, %mul3A : i32
    %add3A = arith.addi %mul3A_0, %arg0 : i32
    %mul3A_1 = arith.constant 256 : i32
    %mul3A_2 = arith.muli %add3A, %mul3A_1 : i32
    "tpu.region"() ({
      %run_scoped3A = tpu.sem_alloc : memref<!tpu.dma_semaphore, #tpu.memory_space<semaphore_mem>>
      %dma_start3A_7 = tpu.memref_slice %arg3[%mul3A_2] : memref<8192xi32, #tpu.memory_space<hbm>> -> memref<256xi32, #tpu.memory_space<hbm>>
      %dma_start3A_8 = tpu.memref_slice %arg3[%mul3A_2] : memref<8192xi32, #tpu.memory_space<hbm>> -> memref<256xi32, #tpu.memory_space<hbm>>
      tpu.enqueue_dma source(%dma_start3A_8 : memref<256xi32, #tpu.memory_space<hbm>>) target(%arg5 : memref<256xi32, #tpu.memory_space<vmem>>) target_semaphore(%run_scoped3A : memref<!tpu.dma_semaphore, #tpu.memory_space<semaphore_mem>>)
      %dma_wait3A_9 = tpu.memref_slice %arg3[%mul3A_2] : memref<8192xi32, #tpu.memory_space<hbm>> -> memref<256xi32, #tpu.memory_space<hbm>>
      %dma_wait3A_10 = tpu.memref_slice %arg3[%mul3A_2] : memref<8192xi32, #tpu.memory_space<hbm>> -> memref<256xi32, #tpu.memory_space<hbm>>
      tpu.wait_dma2 semaphore(%run_scoped3A : memref<!tpu.dma_semaphore, #tpu.memory_space<semaphore_mem>>) src(%dma_wait3A_10 : memref<256xi32, #tpu.memory_space<hbm>>) dst(%arg5 : memref<256xi32, #tpu.memory_space<vmem>>)
      tpu.yield
    }) : () -> ()
    %dma_start3A = arith.constant 0 : i32
    %dma_start3A_3 = arith.constant 0 : i32
    %dma_start3A_4 = tpu.memref_slice %arg2[%dma_start3A, %dma_start3A_3] : memref<8192x256xf32, #tpu.memory_space<hbm>> -> memref<8192x256xf32, #tpu.memory_space<hbm>>
    tpu.enqueue_indirect_dma source(%dma_start3A_4 : memref<8192x256xf32, #tpu.memory_space<hbm>>) target(%arg6 : memref<256x256xf32, #tpu.memory_space<vmem>>) offsets(%arg5 : memref<256xi32, #tpu.memory_space<vmem>>) semaphore(%arg7 : memref<!tpu.dma_semaphore, #tpu.memory_space<semaphore_mem>>)
    %dma_wait3A = arith.constant 0 : i32
    %dma_wait3A_5 = arith.constant 0 : i32
    %dma_wait3A_6 = tpu.memref_slice %arg2[%dma_wait3A, %dma_wait3A_5] : memref<8192x256xf32, #tpu.memory_space<hbm>> -> memref<8192x256xf32, #tpu.memory_space<hbm>>
    tpu.wait_indirect_dma semaphore(%arg7 : memref<!tpu.dma_semaphore, #tpu.memory_space<semaphore_mem>>) src(%dma_wait3A_6 : memref<8192x256xf32, #tpu.memory_space<hbm>>) dst(%arg6 : memref<256x256xf32, #tpu.memory_space<vmem>>)
    "tpu.region"() ({
      %run_scoped3A = tpu.sem_alloc : memref<!tpu.dma_semaphore, #tpu.memory_space<semaphore_mem>>
      %dma_start3A_7 = arith.constant 0 : i32
      %dma_start3A_8 = tpu.memref_slice %arg4[%mul3A_2, %dma_start3A_7] : memref<8192x256xf32, #tpu.memory_space<hbm>> -> memref<256x256xf32, #tpu.memory_space<hbm>>
      %dma_start3A_9 = arith.constant 0 : i32
      %dma_start3A_10 = tpu.memref_slice %arg4[%mul3A_2, %dma_start3A_9] : memref<8192x256xf32, #tpu.memory_space<hbm>> -> memref<256x256xf32, #tpu.memory_space<hbm>>
      tpu.enqueue_dma source(%arg6 : memref<256x256xf32, #tpu.memory_space<vmem>>) target(%dma_start3A_10 : memref<256x256xf32, #tpu.memory_space<hbm>>) target_semaphore(%run_scoped3A : memref<!tpu.dma_semaphore, #tpu.memory_space<semaphore_mem>>)
      %dma_wait3A_11 = arith.constant 0 : i32
      %dma_wait3A_12 = tpu.memref_slice %arg4[%mul3A_2, %dma_wait3A_11] : memref<8192x256xf32, #tpu.memory_space<hbm>> -> memref<256x256xf32, #tpu.memory_space<hbm>>
      %dma_wait3A_13 = arith.constant 0 : i32
      %dma_wait3A_14 = tpu.memref_slice %arg4[%mul3A_2, %dma_wait3A_13] : memref<8192x256xf32, #tpu.memory_space<hbm>> -> memref<256x256xf32, #tpu.memory_space<hbm>>
      tpu.wait_dma2 semaphore(%run_scoped3A : memref<!tpu.dma_semaphore, #tpu.memory_space<semaphore_mem>>) src(%arg6 : memref<256x256xf32, #tpu.memory_space<vmem>>) dst(%dma_wait3A_14 : memref<256x256xf32, #tpu.memory_space<hbm>>)
      tpu.yield
    }) : () -> ()
    return
  }
}

module attributes {stable_mosaic.version = 14 : i64} {
  func.func @_argmin_kernel(%arg0: i32, %arg1: memref<1024x256xf32, #tpu.memory_space<vmem>>, %arg2: memref<256x8192xf32, #tpu.memory_space<vmem>>, %arg3: memref<1x1024x1xi32, #tpu.memory_space<vmem>>, %arg4: memref<1x1024x1xf32, #tpu.memory_space<vmem>>, %arg5: memref<1x8192xf32, #tpu.memory_space<vmem>>) attributes {dimension_semantics = [#tpu.dimension_semantics<arbitrary>], iteration_bounds = array<i64: 8>, scalar_prefetch = 0 : i64, scratch_operands = 1 : i64, tpu.core_type = #tpu.core_type<tc>, window_params = [{transform_indices = @transform_0, window_bounds = array<i64: 1024, 256>}, {pipeline_mode = #tpu.pipeline_mode<synchronous>, transform_indices = @transform_1, window_bounds = array<i64: 256, 8192>}, {transform_indices = @transform_2, window_bounds = array<i64: 1, 1024, 1>}, {transform_indices = @transform_3, window_bounds = array<i64: 1, 1024, 1>}]} {
    %eq3A = arith.constant 0 : i32
    %eq3A_0 = arith.cmpi eq, %arg0, %eq3A : i32
    %convert_element_type3A = arith.extui %eq3A_0 : i1 to i32
    %cond3A = arith.constant 0 : i32
    %cond3A_1 = arith.cmpi ne, %convert_element_type3A, %cond3A : i32
    scf.if %cond3A_1 {
      %get3A_248 = arith.constant 0 : index
      %get3A_249 = arith.constant 0 : index
      %get3A_250 = vector.load %arg2[%get3A_248, %get3A_249] : memref<256x8192xf32, #tpu.memory_space<vmem>>, vector<256x1024xf32>
      %mul3A_251 = arith.mulf %get3A_250, %get3A_250 : vector<256x1024xf32>
      %reduce_sum3A_252 = arith.constant dense<0.000000e+00> : vector<1024xf32>
      %reduce_sum3A_253 = vector.multi_reduction <add>, %mul3A_251, %reduce_sum3A_252 [0] : vector<256x1024xf32> to vector<1024xf32>
      %broadcast_in_dim3A_254 = vector.shape_cast %reduce_sum3A_253 : vector<1024xf32> to vector<1x1024xf32>
      %swap3A_255 = arith.constant 0 : index
      %swap3A_256 = arith.constant 0 : index
      %swap3A_257 = vector.load %arg5[%swap3A_255, %swap3A_256] : memref<1x8192xf32, #tpu.memory_space<vmem>>, vector<1x1024xf32>
      tpu.vector_store %arg5[%swap3A_255, %swap3A_256], %broadcast_in_dim3A_254 {strides = array<i32>} : memref<1x8192xf32, #tpu.memory_space<vmem>>, vector<1x1024xf32>,
      %get3A_258 = arith.constant 0 : index
      %get3A_259 = arith.constant 1024 : index
      %get3A_260 = vector.load %arg2[%get3A_258, %get3A_259] : memref<256x8192xf32, #tpu.memory_space<vmem>>, vector<256x1024xf32>
      %mul3A_261 = arith.mulf %get3A_260, %get3A_260 : vector<256x1024xf32>
      %reduce_sum3A_262 = arith.constant dense<0.000000e+00> : vector<1024xf32>
      %reduce_sum3A_263 = vector.multi_reduction <add>, %mul3A_261, %reduce_sum3A_262 [0] : vector<256x1024xf32> to vector<1024xf32>
      %broadcast_in_dim3A_264 = vector.shape_cast %reduce_sum3A_263 : vector<1024xf32> to vector<1x1024xf32>
      %swap3A_265 = arith.constant 0 : index
      %swap3A_266 = arith.constant 1024 : index
      %swap3A_267 = vector.load %arg5[%swap3A_265, %swap3A_266] : memref<1x8192xf32, #tpu.memory_space<vmem>>, vector<1x1024xf32>
      tpu.vector_store %arg5[%swap3A_265, %swap3A_266], %broadcast_in_dim3A_264 {strides = array<i32>} : memref<1x8192xf32, #tpu.memory_space<vmem>>, vector<1x1024xf32>,
      %get3A_268 = arith.constant 0 : index
      %get3A_269 = arith.constant 2048 : index
      %get3A_270 = vector.load %arg2[%get3A_268, %get3A_269] : memref<256x8192xf32, #tpu.memory_space<vmem>>, vector<256x1024xf32>
      %mul3A_271 = arith.mulf %get3A_270, %get3A_270 : vector<256x1024xf32>
      %reduce_sum3A_272 = arith.constant dense<0.000000e+00> : vector<1024xf32>
      %reduce_sum3A_273 = vector.multi_reduction <add>, %mul3A_271, %reduce_sum3A_272 [0] : vector<256x1024xf32> to vector<1024xf32>
      %broadcast_in_dim3A_274 = vector.shape_cast %reduce_sum3A_273 : vector<1024xf32> to vector<1x1024xf32>
      %swap3A_275 = arith.constant 0 : index
      %swap3A_276 = arith.constant 2048 : index
      %swap3A_277 = vector.load %arg5[%swap3A_275, %swap3A_276] : memref<1x8192xf32, #tpu.memory_space<vmem>>, vector<1x1024xf32>
      tpu.vector_store %arg5[%swap3A_275, %swap3A_276], %broadcast_in_dim3A_274 {strides = array<i32>} : memref<1x8192xf32, #tpu.memory_space<vmem>>, vector<1x1024xf32>,
      %get3A_278 = arith.constant 0 : index
      %get3A_279 = arith.constant 3072 : index
      %get3A_280 = vector.load %arg2[%get3A_278, %get3A_279] : memref<256x8192xf32, #tpu.memory_space<vmem>>, vector<256x1024xf32>
      %mul3A_281 = arith.mulf %get3A_280, %get3A_280 : vector<256x1024xf32>
      %reduce_sum3A_282 = arith.constant dense<0.000000e+00> : vector<1024xf32>
      %reduce_sum3A_283 = vector.multi_reduction <add>, %mul3A_281, %reduce_sum3A_282 [0] : vector<256x1024xf32> to vector<1024xf32>
      %broadcast_in_dim3A_284 = vector.shape_cast %reduce_sum3A_283 : vector<1024xf32> to vector<1x1024xf32>
      %swap3A_285 = arith.constant 0 : index
      %swap3A_286 = arith.constant 3072 : index
      %swap3A_287 = vector.load %arg5[%swap3A_285, %swap3A_286] : memref<1x8192xf32, #tpu.memory_space<vmem>>, vector<1x1024xf32>
      tpu.vector_store %arg5[%swap3A_285, %swap3A_286], %broadcast_in_dim3A_284 {strides = array<i32>} : memref<1x8192xf32, #tpu.memory_space<vmem>>, vector<1x1024xf32>,
      %get3A_288 = arith.constant 0 : index
      %get3A_289 = arith.constant 4096 : index
      %get3A_290 = vector.load %arg2[%get3A_288, %get3A_289] : memref<256x8192xf32, #tpu.memory_space<vmem>>, vector<256x1024xf32>
      %mul3A_291 = arith.mulf %get3A_290, %get3A_290 : vector<256x1024xf32>
      %reduce_sum3A_292 = arith.constant dense<0.000000e+00> : vector<1024xf32>
      %reduce_sum3A_293 = vector.multi_reduction <add>, %mul3A_291, %reduce_sum3A_292 [0] : vector<256x1024xf32> to vector<1024xf32>
      %broadcast_in_dim3A_294 = vector.shape_cast %reduce_sum3A_293 : vector<1024xf32> to vector<1x1024xf32>
      %swap3A_295 = arith.constant 0 : index
      %swap3A_296 = arith.constant 4096 : index
      %swap3A_297 = vector.load %arg5[%swap3A_295, %swap3A_296] : memref<1x8192xf32, #tpu.memory_space<vmem>>, vector<1x1024xf32>
      tpu.vector_store %arg5[%swap3A_295, %swap3A_296], %broadcast_in_dim3A_294 {strides = array<i32>} : memref<1x8192xf32, #tpu.memory_space<vmem>>, vector<1x1024xf32>,
      %get3A_298 = arith.constant 0 : index
      %get3A_299 = arith.constant 5120 : index
      %get3A_300 = vector.load %arg2[%get3A_298, %get3A_299] : memref<256x8192xf32, #tpu.memory_space<vmem>>, vector<256x1024xf32>
      %mul3A_301 = arith.mulf %get3A_300, %get3A_300 : vector<256x1024xf32>
      %reduce_sum3A_302 = arith.constant dense<0.000000e+00> : vector<1024xf32>
      %reduce_sum3A_303 = vector.multi_reduction <add>, %mul3A_301, %reduce_sum3A_302 [0] : vector<256x1024xf32> to vector<1024xf32>
      %broadcast_in_dim3A_304 = vector.shape_cast %reduce_sum3A_303 : vector<1024xf32> to vector<1x1024xf32>
      %swap3A_305 = arith.constant 0 : index
      %swap3A_306 = arith.constant 5120 : index
      %swap3A_307 = vector.load %arg5[%swap3A_305, %swap3A_306] : memref<1x8192xf32, #tpu.memory_space<vmem>>, vector<1x1024xf32>
      tpu.vector_store %arg5[%swap3A_305, %swap3A_306], %broadcast_in_dim3A_304 {strides = array<i32>} : memref<1x8192xf32, #tpu.memory_space<vmem>>, vector<1x1024xf32>,
      %get3A_308 = arith.constant 0 : index
      %get3A_309 = arith.constant 6144 : index
      %get3A_310 = vector.load %arg2[%get3A_308, %get3A_309] : memref<256x8192xf32, #tpu.memory_space<vmem>>, vector<256x1024xf32>
      %mul3A_311 = arith.mulf %get3A_310, %get3A_310 : vector<256x1024xf32>
      %reduce_sum3A_312 = arith.constant dense<0.000000e+00> : vector<1024xf32>
      %reduce_sum3A_313 = vector.multi_reduction <add>, %mul3A_311, %reduce_sum3A_312 [0] : vector<256x1024xf32> to vector<1024xf32>
      %broadcast_in_dim3A_314 = vector.shape_cast %reduce_sum3A_313 : vector<1024xf32> to vector<1x1024xf32>
      %swap3A_315 = arith.constant 0 : index
      %swap3A_316 = arith.constant 6144 : index
      %swap3A_317 = vector.load %arg5[%swap3A_315, %swap3A_316] : memref<1x8192xf32, #tpu.memory_space<vmem>>, vector<1x1024xf32>
      tpu.vector_store %arg5[%swap3A_315, %swap3A_316], %broadcast_in_dim3A_314 {strides = array<i32>} : memref<1x8192xf32, #tpu.memory_space<vmem>>, vector<1x1024xf32>,
      %get3A_318 = arith.constant 0 : index
      %get3A_319 = arith.constant 7168 : index
      %get3A_320 = vector.load %arg2[%get3A_318, %get3A_319] : memref<256x8192xf32, #tpu.memory_space<vmem>>, vector<256x1024xf32>
      %mul3A_321 = arith.mulf %get3A_320, %get3A_320 : vector<256x1024xf32>
      %reduce_sum3A_322 = arith.constant dense<0.000000e+00> : vector<1024xf32>
      %reduce_sum3A_323 = vector.multi_reduction <add>, %mul3A_321, %reduce_sum3A_322 [0] : vector<256x1024xf32> to vector<1024xf32>
      %broadcast_in_dim3A_324 = vector.shape_cast %reduce_sum3A_323 : vector<1024xf32> to vector<1x1024xf32>
      %swap3A_325 = arith.constant 0 : index
      %swap3A_326 = arith.constant 7168 : index
      %swap3A_327 = vector.load %arg5[%swap3A_325, %swap3A_326] : memref<1x8192xf32, #tpu.memory_space<vmem>>, vector<1x1024xf32>
      tpu.vector_store %arg5[%swap3A_325, %swap3A_326], %broadcast_in_dim3A_324 {strides = array<i32>} : memref<1x8192xf32, #tpu.memory_space<vmem>>, vector<1x1024xf32>,
    } else {
    }
    %get3A = arith.constant 0 : index
    %get3A_2 = arith.constant 0 : index
    %get3A_3 = vector.load %arg1[%get3A, %get3A_2] : memref<1024x256xf32, #tpu.memory_space<vmem>>, vector<1024x256xf32>
    %add3A = arith.addf %get3A_3, %get3A_3 : vector<1024x256xf32>
    %mul3A = arith.mulf %get3A_3, %get3A_3 : vector<1024x256xf32>
    %reduce_sum3A = arith.constant dense<0.000000e+00> : vector<1024xf32>
    %reduce_sum3A_4 = vector.multi_reduction <add>, %mul3A, %reduce_sum3A [1] : vector<1024x256xf32> to vector<1024xf32>
    %broadcast_in_dim3A = vector.shape_cast %reduce_sum3A_4 : vector<1024xf32> to vector<1024x1xf32>
    %broadcast_in_dim3A_5 = arith.constant 0x7F800000 : f32
    %broadcast_in_dim3A_6 = vector.broadcast %broadcast_in_dim3A_5 : f32 to vector<1024x1xf32>
    %broadcast_in_dim3A_7 = arith.constant 0.000000e+00 : f32
    %broadcast_in_dim3A_8 = vector.broadcast %broadcast_in_dim3A_7 : f32 to vector<1024x1xf32>
    %iota3A = tpu.iota {dimensions = array<i32: 1>} : vector<1024x1024xi32>
    %convert_element_type3A_9 = arith.sitofp %iota3A : vector<1024x1024xi32> to vector<1024x1024xf32>
    %get3A_10 = arith.constant 0 : index
    %get3A_11 = arith.constant 0 : index
    %get3A_12 = vector.load %arg2[%get3A_10, %get3A_11] : memref<256x8192xf32, #tpu.memory_space<vmem>>, vector<256x1024xf32>
    %dot_general3A = arith.constant dense<0.000000e+00> : vector<1024x1024xf32>
    %dot_general3A_13 = tpu.matmul %add3A, %get3A_12, %dot_general3A {dimension_numbers = #tpu.dot_dimension_numbers<[1], [0], [0], [1], [0, 0, 1, 1], [], []>, transpose_lhs_hint = false} : vector<1024x256xf32>, vector<256x1024xf32>, vector<1024x1024xf32> -> vector<1024x1024xf32>
    %get3A_14 = arith.constant 0 : index
    %get3A_15 = arith.constant 0 : index
    %get3A_16 = vector.load %arg5[%get3A_14, %get3A_15] : memref<1x8192xf32, #tpu.memory_space<vmem>>, vector<1x1024xf32>
    %sub3A = vector.broadcast %broadcast_in_dim3A : vector<1024x1xf32> to vector<1024x1024xf32>
    %sub3A_17 = arith.subf %sub3A, %dot_general3A_13 : vector<1024x1024xf32>
    %add3A_18 = vector.broadcast %get3A_16 : vector<1x1024xf32> to vector<1024x1024xf32>
    %add3A_19 = arith.addf %sub3A_17, %add3A_18 : vector<1024x1024xf32>
    %reduce_min3A = arith.constant dense<0x7F800000> : vector<1024xf32>
    %reduce_min3A_20 = vector.multi_reduction <minimumf>, %add3A_19, %reduce_min3A [1] : vector<1024x1024xf32> to vector<1024xf32>
    %broadcast_in_dim3A_21 = vector.shape_cast %reduce_min3A_20 : vector<1024xf32> to vector<1024x1xf32>
    %eq3A_22 = vector.broadcast %broadcast_in_dim3A_21 : vector<1024x1xf32> to vector<1024x1024xf32>
    %eq3A_23 = arith.cmpf oeq, %add3A_19, %eq3A_22 : vector<1024x1024xf32>
    %jit3A = arith.constant 0x7F800000 : f32
    %broadcast_in_dim3A_24 = vector.broadcast %jit3A : f32 to vector<1024x1024xf32>
    %select_n3A = arith.select %eq3A_23, %convert_element_type3A_9, %broadcast_in_dim3A_24 : vector<1024x1024xi1>, vector<1024x1024xf32>
    %reduce_min3A_25 = arith.constant dense<0x7F800000> : vector<1024xf32>
    %reduce_min3A_26 = vector.multi_reduction <minimumf>, %select_n3A, %reduce_min3A_25 [1] : vector<1024x1024xf32> to vector<1024xf32>
    %broadcast_in_dim3A_27 = vector.shape_cast %reduce_min3A_26 : vector<1024xf32> to vector<1024x1xf32>
    %add3A_28 = arith.constant 0.000000e+00 : f32
    %add3A_29 = vector.broadcast %add3A_28 : f32 to vector<1024x1xf32>
    %add3A_30 = arith.addf %broadcast_in_dim3A_27, %add3A_29 : vector<1024x1xf32>
    %lt3A = arith.cmpf olt, %broadcast_in_dim3A_21, %broadcast_in_dim3A_6 : vector<1024x1xf32>
    %select_n3A_31 = arith.select %lt3A, %add3A_30, %broadcast_in_dim3A_8 : vector<1024x1xi1>, vector<1024x1xf32>
    %select_n3A_32 = arith.select %lt3A, %broadcast_in_dim3A_21, %broadcast_in_dim3A_6 : vector<1024x1xi1>, vector<1024x1xf32>
    %get3A_33 = arith.constant 0 : index
    %get3A_34 = arith.constant 1024 : index
    %get3A_35 = vector.load %arg2[%get3A_33, %get3A_34] : memref<256x8192xf32, #tpu.memory_space<vmem>>, vector<256x1024xf32>
    %dot_general3A_36 = arith.constant dense<0.000000e+00> : vector<1024x1024xf32>
    %dot_general3A_37 = tpu.matmul %add3A, %get3A_35, %dot_general3A_36 {dimension_numbers = #tpu.dot_dimension_numbers<[1], [0], [0], [1], [0, 0, 1, 1], [], []>, transpose_lhs_hint = false} : vector<1024x256xf32>, vector<256x1024xf32>, vector<1024x1024xf32> -> vector<1024x1024xf32>
    %get3A_38 = arith.constant 0 : index
    %get3A_39 = arith.constant 1024 : index
    %get3A_40 = vector.load %arg5[%get3A_38, %get3A_39] : memref<1x8192xf32, #tpu.memory_space<vmem>>, vector<1x1024xf32>
    %sub3A_41 = vector.broadcast %broadcast_in_dim3A : vector<1024x1xf32> to vector<1024x1024xf32>
    %sub3A_42 = arith.subf %sub3A_41, %dot_general3A_37 : vector<1024x1024xf32>
    %add3A_43 = vector.broadcast %get3A_40 : vector<1x1024xf32> to vector<1024x1024xf32>
    %add3A_44 = arith.addf %sub3A_42, %add3A_43 : vector<1024x1024xf32>
    %reduce_min3A_45 = arith.constant dense<0x7F800000> : vector<1024xf32>
    %reduce_min3A_46 = vector.multi_reduction <minimumf>, %add3A_44, %reduce_min3A_45 [1] : vector<1024x1024xf32> to vector<1024xf32>
    %broadcast_in_dim3A_47 = vector.shape_cast %reduce_min3A_46 : vector<1024xf32> to vector<1024x1xf32>
    %eq3A_48 = vector.broadcast %broadcast_in_dim3A_47 : vector<1024x1xf32> to vector<1024x1024xf32>
    %eq3A_49 = arith.cmpf oeq, %add3A_44, %eq3A_48 : vector<1024x1024xf32>
    %jit3A_50 = arith.constant 0x7F800000 : f32
    %broadcast_in_dim3A_51 = vector.broadcast %jit3A_50 : f32 to vector<1024x1024xf32>
    %select_n3A_52 = arith.select %eq3A_49, %convert_element_type3A_9, %broadcast_in_dim3A_51 : vector<1024x1024xi1>, vector<1024x1024xf32>
    %reduce_min3A_53 = arith.constant dense<0x7F800000> : vector<1024xf32>
    %reduce_min3A_54 = vector.multi_reduction <minimumf>, %select_n3A_52, %reduce_min3A_53 [1] : vector<1024x1024xf32> to vector<1024xf32>
    %broadcast_in_dim3A_55 = vector.shape_cast %reduce_min3A_54 : vector<1024xf32> to vector<1024x1xf32>
    %add3A_56 = arith.constant 1.024000e+03 : f32
    %add3A_57 = vector.broadcast %add3A_56 : f32 to vector<1024x1xf32>
    %add3A_58 = arith.addf %broadcast_in_dim3A_55, %add3A_57 : vector<1024x1xf32>
    %lt3A_59 = arith.cmpf olt, %broadcast_in_dim3A_47, %select_n3A_32 : vector<1024x1xf32>
    %select_n3A_60 = arith.select %lt3A_59, %add3A_58, %select_n3A_31 : vector<1024x1xi1>, vector<1024x1xf32>
    %select_n3A_61 = arith.select %lt3A_59, %broadcast_in_dim3A_47, %select_n3A_32 : vector<1024x1xi1>, vector<1024x1xf32>
    %get3A_62 = arith.constant 0 : index
    %get3A_63 = arith.constant 2048 : index
    %get3A_64 = vector.load %arg2[%get3A_62, %get3A_63] : memref<256x8192xf32, #tpu.memory_space<vmem>>, vector<256x1024xf32>
    %dot_general3A_65 = arith.constant dense<0.000000e+00> : vector<1024x1024xf32>
    %dot_general3A_66 = tpu.matmul %add3A, %get3A_64, %dot_general3A_65 {dimension_numbers = #tpu.dot_dimension_numbers<[1], [0], [0], [1], [0, 0, 1, 1], [], []>, transpose_lhs_hint = false} : vector<1024x256xf32>, vector<256x1024xf32>, vector<1024x1024xf32> -> vector<1024x1024xf32>
    %get3A_67 = arith.constant 0 : index
    %get3A_68 = arith.constant 2048 : index
    %get3A_69 = vector.load %arg5[%get3A_67, %get3A_68] : memref<1x8192xf32, #tpu.memory_space<vmem>>, vector<1x1024xf32>
    %sub3A_70 = vector.broadcast %broadcast_in_dim3A : vector<1024x1xf32> to vector<1024x1024xf32>
    %sub3A_71 = arith.subf %sub3A_70, %dot_general3A_66 : vector<1024x1024xf32>
    %add3A_72 = vector.broadcast %get3A_69 : vector<1x1024xf32> to vector<1024x1024xf32>
    %add3A_73 = arith.addf %sub3A_71, %add3A_72 : vector<1024x1024xf32>
    %reduce_min3A_74 = arith.constant dense<0x7F800000> : vector<1024xf32>
    %reduce_min3A_75 = vector.multi_reduction <minimumf>, %add3A_73, %reduce_min3A_74 [1] : vector<1024x1024xf32> to vector<1024xf32>
    %broadcast_in_dim3A_76 = vector.shape_cast %reduce_min3A_75 : vector<1024xf32> to vector<1024x1xf32>
    %eq3A_77 = vector.broadcast %broadcast_in_dim3A_76 : vector<1024x1xf32> to vector<1024x1024xf32>
    %eq3A_78 = arith.cmpf oeq, %add3A_73, %eq3A_77 : vector<1024x1024xf32>
    %jit3A_79 = arith.constant 0x7F800000 : f32
    %broadcast_in_dim3A_80 = vector.broadcast %jit3A_79 : f32 to vector<1024x1024xf32>
    %select_n3A_81 = arith.select %eq3A_78, %convert_element_type3A_9, %broadcast_in_dim3A_80 : vector<1024x1024xi1>, vector<1024x1024xf32>
    %reduce_min3A_82 = arith.constant dense<0x7F800000> : vector<1024xf32>
    %reduce_min3A_83 = vector.multi_reduction <minimumf>, %select_n3A_81, %reduce_min3A_82 [1] : vector<1024x1024xf32> to vector<1024xf32>
    %broadcast_in_dim3A_84 = vector.shape_cast %reduce_min3A_83 : vector<1024xf32> to vector<1024x1xf32>
    %add3A_85 = arith.constant 2.048000e+03 : f32
    %add3A_86 = vector.broadcast %add3A_85 : f32 to vector<1024x1xf32>
    %add3A_87 = arith.addf %broadcast_in_dim3A_84, %add3A_86 : vector<1024x1xf32>
    %lt3A_88 = arith.cmpf olt, %broadcast_in_dim3A_76, %select_n3A_61 : vector<1024x1xf32>
    %select_n3A_89 = arith.select %lt3A_88, %add3A_87, %select_n3A_60 : vector<1024x1xi1>, vector<1024x1xf32>
    %select_n3A_90 = arith.select %lt3A_88, %broadcast_in_dim3A_76, %select_n3A_61 : vector<1024x1xi1>, vector<1024x1xf32>
    %get3A_91 = arith.constant 0 : index
    %get3A_92 = arith.constant 3072 : index
    %get3A_93 = vector.load %arg2[%get3A_91, %get3A_92] : memref<256x8192xf32, #tpu.memory_space<vmem>>, vector<256x1024xf32>
    %dot_general3A_94 = arith.constant dense<0.000000e+00> : vector<1024x1024xf32>
    %dot_general3A_95 = tpu.matmul %add3A, %get3A_93, %dot_general3A_94 {dimension_numbers = #tpu.dot_dimension_numbers<[1], [0], [0], [1], [0, 0, 1, 1], [], []>, transpose_lhs_hint = false} : vector<1024x256xf32>, vector<256x1024xf32>, vector<1024x1024xf32> -> vector<1024x1024xf32>
    %get3A_96 = arith.constant 0 : index
    %get3A_97 = arith.constant 3072 : index
    %get3A_98 = vector.load %arg5[%get3A_96, %get3A_97] : memref<1x8192xf32, #tpu.memory_space<vmem>>, vector<1x1024xf32>
    %sub3A_99 = vector.broadcast %broadcast_in_dim3A : vector<1024x1xf32> to vector<1024x1024xf32>
    %sub3A_100 = arith.subf %sub3A_99, %dot_general3A_95 : vector<1024x1024xf32>
    %add3A_101 = vector.broadcast %get3A_98 : vector<1x1024xf32> to vector<1024x1024xf32>
    %add3A_102 = arith.addf %sub3A_100, %add3A_101 : vector<1024x1024xf32>
    %reduce_min3A_103 = arith.constant dense<0x7F800000> : vector<1024xf32>
    %reduce_min3A_104 = vector.multi_reduction <minimumf>, %add3A_102, %reduce_min3A_103 [1] : vector<1024x1024xf32> to vector<1024xf32>
    %broadcast_in_dim3A_105 = vector.shape_cast %reduce_min3A_104 : vector<1024xf32> to vector<1024x1xf32>
    %eq3A_106 = vector.broadcast %broadcast_in_dim3A_105 : vector<1024x1xf32> to vector<1024x1024xf32>
    %eq3A_107 = arith.cmpf oeq, %add3A_102, %eq3A_106 : vector<1024x1024xf32>
    %jit3A_108 = arith.constant 0x7F800000 : f32
    %broadcast_in_dim3A_109 = vector.broadcast %jit3A_108 : f32 to vector<1024x1024xf32>
    %select_n3A_110 = arith.select %eq3A_107, %convert_element_type3A_9, %broadcast_in_dim3A_109 : vector<1024x1024xi1>, vector<1024x1024xf32>
    %reduce_min3A_111 = arith.constant dense<0x7F800000> : vector<1024xf32>
    %reduce_min3A_112 = vector.multi_reduction <minimumf>, %select_n3A_110, %reduce_min3A_111 [1] : vector<1024x1024xf32> to vector<1024xf32>
    %broadcast_in_dim3A_113 = vector.shape_cast %reduce_min3A_112 : vector<1024xf32> to vector<1024x1xf32>
    %add3A_114 = arith.constant 3.072000e+03 : f32
    %add3A_115 = vector.broadcast %add3A_114 : f32 to vector<1024x1xf32>
    %add3A_116 = arith.addf %broadcast_in_dim3A_113, %add3A_115 : vector<1024x1xf32>
    %lt3A_117 = arith.cmpf olt, %broadcast_in_dim3A_105, %select_n3A_90 : vector<1024x1xf32>
    %select_n3A_118 = arith.select %lt3A_117, %add3A_116, %select_n3A_89 : vector<1024x1xi1>, vector<1024x1xf32>
    %select_n3A_119 = arith.select %lt3A_117, %broadcast_in_dim3A_105, %select_n3A_90 : vector<1024x1xi1>, vector<1024x1xf32>
    %get3A_120 = arith.constant 0 : index
    %get3A_121 = arith.constant 4096 : index
    %get3A_122 = vector.load %arg2[%get3A_120, %get3A_121] : memref<256x8192xf32, #tpu.memory_space<vmem>>, vector<256x1024xf32>
    %dot_general3A_123 = arith.constant dense<0.000000e+00> : vector<1024x1024xf32>
    %dot_general3A_124 = tpu.matmul %add3A, %get3A_122, %dot_general3A_123 {dimension_numbers = #tpu.dot_dimension_numbers<[1], [0], [0], [1], [0, 0, 1, 1], [], []>, transpose_lhs_hint = false} : vector<1024x256xf32>, vector<256x1024xf32>, vector<1024x1024xf32> -> vector<1024x1024xf32>
    %get3A_125 = arith.constant 0 : index
    %get3A_126 = arith.constant 4096 : index
    %get3A_127 = vector.load %arg5[%get3A_125, %get3A_126] : memref<1x8192xf32, #tpu.memory_space<vmem>>, vector<1x1024xf32>
    %sub3A_128 = vector.broadcast %broadcast_in_dim3A : vector<1024x1xf32> to vector<1024x1024xf32>
    %sub3A_129 = arith.subf %sub3A_128, %dot_general3A_124 : vector<1024x1024xf32>
    %add3A_130 = vector.broadcast %get3A_127 : vector<1x1024xf32> to vector<1024x1024xf32>
    %add3A_131 = arith.addf %sub3A_129, %add3A_130 : vector<1024x1024xf32>
    %reduce_min3A_132 = arith.constant dense<0x7F800000> : vector<1024xf32>
    %reduce_min3A_133 = vector.multi_reduction <minimumf>, %add3A_131, %reduce_min3A_132 [1] : vector<1024x1024xf32> to vector<1024xf32>
    %broadcast_in_dim3A_134 = vector.shape_cast %reduce_min3A_133 : vector<1024xf32> to vector<1024x1xf32>
    %eq3A_135 = vector.broadcast %broadcast_in_dim3A_134 : vector<1024x1xf32> to vector<1024x1024xf32>
    %eq3A_136 = arith.cmpf oeq, %add3A_131, %eq3A_135 : vector<1024x1024xf32>
    %jit3A_137 = arith.constant 0x7F800000 : f32
    %broadcast_in_dim3A_138 = vector.broadcast %jit3A_137 : f32 to vector<1024x1024xf32>
    %select_n3A_139 = arith.select %eq3A_136, %convert_element_type3A_9, %broadcast_in_dim3A_138 : vector<1024x1024xi1>, vector<1024x1024xf32>
    %reduce_min3A_140 = arith.constant dense<0x7F800000> : vector<1024xf32>
    %reduce_min3A_141 = vector.multi_reduction <minimumf>, %select_n3A_139, %reduce_min3A_140 [1] : vector<1024x1024xf32> to vector<1024xf32>
    %broadcast_in_dim3A_142 = vector.shape_cast %reduce_min3A_141 : vector<1024xf32> to vector<1024x1xf32>
    %add3A_143 = arith.constant 4.096000e+03 : f32
    %add3A_144 = vector.broadcast %add3A_143 : f32 to vector<1024x1xf32>
    %add3A_145 = arith.addf %broadcast_in_dim3A_142, %add3A_144 : vector<1024x1xf32>
    %lt3A_146 = arith.cmpf olt, %broadcast_in_dim3A_134, %select_n3A_119 : vector<1024x1xf32>
    %select_n3A_147 = arith.select %lt3A_146, %add3A_145, %select_n3A_118 : vector<1024x1xi1>, vector<1024x1xf32>
    %select_n3A_148 = arith.select %lt3A_146, %broadcast_in_dim3A_134, %select_n3A_119 : vector<1024x1xi1>, vector<1024x1xf32>
    %get3A_149 = arith.constant 0 : index
    %get3A_150 = arith.constant 5120 : index
    %get3A_151 = vector.load %arg2[%get3A_149, %get3A_150] : memref<256x8192xf32, #tpu.memory_space<vmem>>, vector<256x1024xf32>
    %dot_general3A_152 = arith.constant dense<0.000000e+00> : vector<1024x1024xf32>
    %dot_general3A_153 = tpu.matmul %add3A, %get3A_151, %dot_general3A_152 {dimension_numbers = #tpu.dot_dimension_numbers<[1], [0], [0], [1], [0, 0, 1, 1], [], []>, transpose_lhs_hint = false} : vector<1024x256xf32>, vector<256x1024xf32>, vector<1024x1024xf32> -> vector<1024x1024xf32>
    %get3A_154 = arith.constant 0 : index
    %get3A_155 = arith.constant 5120 : index
    %get3A_156 = vector.load %arg5[%get3A_154, %get3A_155] : memref<1x8192xf32, #tpu.memory_space<vmem>>, vector<1x1024xf32>
    %sub3A_157 = vector.broadcast %broadcast_in_dim3A : vector<1024x1xf32> to vector<1024x1024xf32>
    %sub3A_158 = arith.subf %sub3A_157, %dot_general3A_153 : vector<1024x1024xf32>
    %add3A_159 = vector.broadcast %get3A_156 : vector<1x1024xf32> to vector<1024x1024xf32>
    %add3A_160 = arith.addf %sub3A_158, %add3A_159 : vector<1024x1024xf32>
    %reduce_min3A_161 = arith.constant dense<0x7F800000> : vector<1024xf32>
    %reduce_min3A_162 = vector.multi_reduction <minimumf>, %add3A_160, %reduce_min3A_161 [1] : vector<1024x1024xf32> to vector<1024xf32>
    %broadcast_in_dim3A_163 = vector.shape_cast %reduce_min3A_162 : vector<1024xf32> to vector<1024x1xf32>
    %eq3A_164 = vector.broadcast %broadcast_in_dim3A_163 : vector<1024x1xf32> to vector<1024x1024xf32>
    %eq3A_165 = arith.cmpf oeq, %add3A_160, %eq3A_164 : vector<1024x1024xf32>
    %jit3A_166 = arith.constant 0x7F800000 : f32
    %broadcast_in_dim3A_167 = vector.broadcast %jit3A_166 : f32 to vector<1024x1024xf32>
    %select_n3A_168 = arith.select %eq3A_165, %convert_element_type3A_9, %broadcast_in_dim3A_167 : vector<1024x1024xi1>, vector<1024x1024xf32>
    %reduce_min3A_169 = arith.constant dense<0x7F800000> : vector<1024xf32>
    %reduce_min3A_170 = vector.multi_reduction <minimumf>, %select_n3A_168, %reduce_min3A_169 [1] : vector<1024x1024xf32> to vector<1024xf32>
    %broadcast_in_dim3A_171 = vector.shape_cast %reduce_min3A_170 : vector<1024xf32> to vector<1024x1xf32>
    %add3A_172 = arith.constant 5.120000e+03 : f32
    %add3A_173 = vector.broadcast %add3A_172 : f32 to vector<1024x1xf32>
    %add3A_174 = arith.addf %broadcast_in_dim3A_171, %add3A_173 : vector<1024x1xf32>
    %lt3A_175 = arith.cmpf olt, %broadcast_in_dim3A_163, %select_n3A_148 : vector<1024x1xf32>
    %select_n3A_176 = arith.select %lt3A_175, %add3A_174, %select_n3A_147 : vector<1024x1xi1>, vector<1024x1xf32>
    %select_n3A_177 = arith.select %lt3A_175, %broadcast_in_dim3A_163, %select_n3A_148 : vector<1024x1xi1>, vector<1024x1xf32>
    %get3A_178 = arith.constant 0 : index
    %get3A_179 = arith.constant 6144 : index
    %get3A_180 = vector.load %arg2[%get3A_178, %get3A_179] : memref<256x8192xf32, #tpu.memory_space<vmem>>, vector<256x1024xf32>
    %dot_general3A_181 = arith.constant dense<0.000000e+00> : vector<1024x1024xf32>
    %dot_general3A_182 = tpu.matmul %add3A, %get3A_180, %dot_general3A_181 {dimension_numbers = #tpu.dot_dimension_numbers<[1], [0], [0], [1], [0, 0, 1, 1], [], []>, transpose_lhs_hint = false} : vector<1024x256xf32>, vector<256x1024xf32>, vector<1024x1024xf32> -> vector<1024x1024xf32>
    %get3A_183 = arith.constant 0 : index
    %get3A_184 = arith.constant 6144 : index
    %get3A_185 = vector.load %arg5[%get3A_183, %get3A_184] : memref<1x8192xf32, #tpu.memory_space<vmem>>, vector<1x1024xf32>
    %sub3A_186 = vector.broadcast %broadcast_in_dim3A : vector<1024x1xf32> to vector<1024x1024xf32>
    %sub3A_187 = arith.subf %sub3A_186, %dot_general3A_182 : vector<1024x1024xf32>
    %add3A_188 = vector.broadcast %get3A_185 : vector<1x1024xf32> to vector<1024x1024xf32>
    %add3A_189 = arith.addf %sub3A_187, %add3A_188 : vector<1024x1024xf32>
    %reduce_min3A_190 = arith.constant dense<0x7F800000> : vector<1024xf32>
    %reduce_min3A_191 = vector.multi_reduction <minimumf>, %add3A_189, %reduce_min3A_190 [1] : vector<1024x1024xf32> to vector<1024xf32>
    %broadcast_in_dim3A_192 = vector.shape_cast %reduce_min3A_191 : vector<1024xf32> to vector<1024x1xf32>
    %eq3A_193 = vector.broadcast %broadcast_in_dim3A_192 : vector<1024x1xf32> to vector<1024x1024xf32>
    %eq3A_194 = arith.cmpf oeq, %add3A_189, %eq3A_193 : vector<1024x1024xf32>
    %jit3A_195 = arith.constant 0x7F800000 : f32
    %broadcast_in_dim3A_196 = vector.broadcast %jit3A_195 : f32 to vector<1024x1024xf32>
    %select_n3A_197 = arith.select %eq3A_194, %convert_element_type3A_9, %broadcast_in_dim3A_196 : vector<1024x1024xi1>, vector<1024x1024xf32>
    %reduce_min3A_198 = arith.constant dense<0x7F800000> : vector<1024xf32>
    %reduce_min3A_199 = vector.multi_reduction <minimumf>, %select_n3A_197, %reduce_min3A_198 [1] : vector<1024x1024xf32> to vector<1024xf32>
    %broadcast_in_dim3A_200 = vector.shape_cast %reduce_min3A_199 : vector<1024xf32> to vector<1024x1xf32>
    %add3A_201 = arith.constant 6.144000e+03 : f32
    %add3A_202 = vector.broadcast %add3A_201 : f32 to vector<1024x1xf32>
    %add3A_203 = arith.addf %broadcast_in_dim3A_200, %add3A_202 : vector<1024x1xf32>
    %lt3A_204 = arith.cmpf olt, %broadcast_in_dim3A_192, %select_n3A_177 : vector<1024x1xf32>
    %select_n3A_205 = arith.select %lt3A_204, %add3A_203, %select_n3A_176 : vector<1024x1xi1>, vector<1024x1xf32>
    %select_n3A_206 = arith.select %lt3A_204, %broadcast_in_dim3A_192, %select_n3A_177 : vector<1024x1xi1>, vector<1024x1xf32>
    %get3A_207 = arith.constant 0 : index
    %get3A_208 = arith.constant 7168 : index
    %get3A_209 = vector.load %arg2[%get3A_207, %get3A_208] : memref<256x8192xf32, #tpu.memory_space<vmem>>, vector<256x1024xf32>
    %dot_general3A_210 = arith.constant dense<0.000000e+00> : vector<1024x1024xf32>
    %dot_general3A_211 = tpu.matmul %add3A, %get3A_209, %dot_general3A_210 {dimension_numbers = #tpu.dot_dimension_numbers<[1], [0], [0], [1], [0, 0, 1, 1], [], []>, transpose_lhs_hint = false} : vector<1024x256xf32>, vector<256x1024xf32>, vector<1024x1024xf32> -> vector<1024x1024xf32>
    %get3A_212 = arith.constant 0 : index
    %get3A_213 = arith.constant 7168 : index
    %get3A_214 = vector.load %arg5[%get3A_212, %get3A_213] : memref<1x8192xf32, #tpu.memory_space<vmem>>, vector<1x1024xf32>
    %sub3A_215 = vector.broadcast %broadcast_in_dim3A : vector<1024x1xf32> to vector<1024x1024xf32>
    %sub3A_216 = arith.subf %sub3A_215, %dot_general3A_211 : vector<1024x1024xf32>
    %add3A_217 = vector.broadcast %get3A_214 : vector<1x1024xf32> to vector<1024x1024xf32>
    %add3A_218 = arith.addf %sub3A_216, %add3A_217 : vector<1024x1024xf32>
    %reduce_min3A_219 = arith.constant dense<0x7F800000> : vector<1024xf32>
    %reduce_min3A_220 = vector.multi_reduction <minimumf>, %add3A_218, %reduce_min3A_219 [1] : vector<1024x1024xf32> to vector<1024xf32>
    %broadcast_in_dim3A_221 = vector.shape_cast %reduce_min3A_220 : vector<1024xf32> to vector<1024x1xf32>
    %eq3A_222 = vector.broadcast %broadcast_in_dim3A_221 : vector<1024x1xf32> to vector<1024x1024xf32>
    %eq3A_223 = arith.cmpf oeq, %add3A_218, %eq3A_222 : vector<1024x1024xf32>
    %jit3A_224 = arith.constant 0x7F800000 : f32
    %broadcast_in_dim3A_225 = vector.broadcast %jit3A_224 : f32 to vector<1024x1024xf32>
    %select_n3A_226 = arith.select %eq3A_223, %convert_element_type3A_9, %broadcast_in_dim3A_225 : vector<1024x1024xi1>, vector<1024x1024xf32>
    %reduce_min3A_227 = arith.constant dense<0x7F800000> : vector<1024xf32>
    %reduce_min3A_228 = vector.multi_reduction <minimumf>, %select_n3A_226, %reduce_min3A_227 [1] : vector<1024x1024xf32> to vector<1024xf32>
    %broadcast_in_dim3A_229 = vector.shape_cast %reduce_min3A_228 : vector<1024xf32> to vector<1024x1xf32>
    %add3A_230 = arith.constant 7.168000e+03 : f32
    %add3A_231 = vector.broadcast %add3A_230 : f32 to vector<1024x1xf32>
    %add3A_232 = arith.addf %broadcast_in_dim3A_229, %add3A_231 : vector<1024x1xf32>
    %lt3A_233 = arith.cmpf olt, %broadcast_in_dim3A_221, %select_n3A_206 : vector<1024x1xf32>
    %select_n3A_234 = arith.select %lt3A_233, %add3A_232, %select_n3A_205 : vector<1024x1xi1>, vector<1024x1xf32>
    %select_n3A_235 = arith.select %lt3A_233, %broadcast_in_dim3A_221, %select_n3A_206 : vector<1024x1xi1>, vector<1024x1xf32>
    %convert_element_type3A_236 = arith.fptosi %select_n3A_234 : vector<1024x1xf32> to vector<1024x1xi32>
    %swap3A = arith.constant 0 : index
    %swap3A_237 = arith.constant 0 : index
    %swap3A_238 = arith.constant 0 : index
    %swap3A_239 = vector.load %arg3[%swap3A, %swap3A_237, %swap3A_238] : memref<1x1024x1xi32, #tpu.memory_space<vmem>>, vector<1x1024x1xi32>
    %swap3A_240 = vector.shape_cast %swap3A_239 : vector<1x1024x1xi32> to vector<1024x1xi32>
    %swap3A_241 = vector.shape_cast %convert_element_type3A_236 : vector<1024x1xi32> to vector<1x1024x1xi32>
    tpu.vector_store %arg3[%swap3A, %swap3A_237, %swap3A_238], %swap3A_241 {strides = array<i32>} : memref<1x1024x1xi32, #tpu.memory_space<vmem>>, vector<1x1024x1xi32>,
    %swap3A_242 = arith.constant 0 : index
    %swap3A_243 = arith.constant 0 : index
    %swap3A_244 = arith.constant 0 : index
    %swap3A_245 = vector.load %arg4[%swap3A_242, %swap3A_243, %swap3A_244] : memref<1x1024x1xf32, #tpu.memory_space<vmem>>, vector<1x1024x1xf32>
    %swap3A_246 = vector.shape_cast %swap3A_245 : vector<1x1024x1xf32> to vector<1024x1xf32>
    %swap3A_247 = vector.shape_cast %select_n3A_235 : vector<1024x1xf32> to vector<1x1024x1xf32>
    tpu.vector_store %arg4[%swap3A_242, %swap3A_243, %swap3A_244], %swap3A_247 {strides = array<i32>} : memref<1x1024x1xf32, #tpu.memory_space<vmem>>, vector<1x1024x1xf32>,
    return
  }
  func.func @transform_0(%arg0: i32) -> (i32, i32) {
    %c0_i32 = arith.constant 0 : i32
    %c0_i32_0 = arith.constant 0 : i32
    return %arg0, %c0_i32 : i32, i32
  }
  func.func @transform_1(%arg0: i32) -> (i32, i32) {
    %c0_i32 = arith.constant 0 : i32
    %c0_i32_0 = arith.constant 0 : i32
    %c0_i32_1 = arith.constant 0 : i32
    return %c0_i32, %c0_i32_0 : i32, i32
  }
  func.func @transform_2(%arg0: i32) -> (i32, i32, i32) {
    %c0_i32 = arith.constant 0 : i32
    %c0_i32_0 = arith.constant 0 : i32
    %c0_i32_1 = arith.constant 0 : i32
    return %arg0, %c0_i32, %c0_i32_0 : i32, i32, i32
  }
  func.func @transform_3(%arg0: i32) -> (i32, i32, i32) {
    %c0_i32 = arith.constant 0 : i32
    %c0_i32_0 = arith.constant 0 : i32
    %c0_i32_1 = arith.constant 0 : i32
    return %arg0, %c0_i32, %c0_i32_0 : i32, i32, i32
  }
}

</mosaic_0001>

<sc_bundles>
// kernel: kernel.4.cloned.1.call-start
scs
__scs_entry_jumppad:
0x0: {  	(pc) =	sbr.rel $0x88, $3  }
0x1: {  	(tag) =	ssettag $0x0;
	lr =	simm.s32 $0x1  }
0x2: {  	[smem:$0x3F9F] =	sst lr;
	_ =	strace $0xD0000000  }
0x3: {  	_ = 	snop  }
0x4: {  	_ = 	snop  }
0x5: {  	_ = 	snop  }
0x6: {  	_ = 	snop  }
0x7: {  	_ = 	snop  }
__scs_overlays_trampoline_lowered:
0x8: {  	[smem:$0x3FAE] =	sst s0  }
0x9: {  	[smem:$0x3FAF] =	sst s1  }
0xa: {  	[smem:$0x3FB0] =	sst s2  }
0xb: {  	[smem:$0x3FB1] =	sst s3  }
0xc: {  	[smem:$0x3FB2] =	sst s4  }
0xd: {  	[smem:$0x3FB3] =	sst s5  }
0xe: {  	[smem:$0x3FB4] =	sst s6  }
0xf: {  	[smem:$0x3FB5] =	sst s7  }
0x10: {  	[smem:$0x3FB6] =	sst s8  }
0x11: {  	[smem:$0x3FB7] =	sst s9;
	s0 =	simm.s32 @!p0 $0x0  }
0x12: {  	s1 =	sld [smem:$0x3F9D];
	s0 =	simm.s32 @p0 $0x1  }
0x13: {  	[smem:$0x3FB8] =	sst s0;
	s0 =	simm.s32 @!p1 $0x0  }
0x14: {  	s2 =	sld [smem:$0x3F9C];
	s0 =	simm.s32 @p1 $0x1  }
0x15: {  	[smem:$0x3FB9] =	sst s0;
	s0 =	simm.s32 @!p2 $0x0  }
0x16: {  	s3 =	sld [smem:$0x3FDB];
	s0 =	simm.s32 @p2 $0x1  }
0x17: {  	s4 =	simm.s32 $0x1BF5;
	[smem:$0x3FBB] =	sst s0  }
0x18: {  	s0 =	sld [smem:$0x3F9E];
	_ =	swait.ge [sflag:s4], $0x0  }
0x19: {  	s7 =	sld [smem:$0x3F9F]  }
0x1a: {  	s8 =	sadd.s32 $0xFFFFE003, lr  }
0x1b: {  	s9 =	sadd.s32 $0xFFFFFEF7, lr;
	s5 =	simm.s32 $0xFFFFFFFF;
	p2 =	slt.u32 s8, $0xFFFFF086  }
0x1c: {  	p1 =	slt.u32 s9, $0xF7A;
	s5 =	simm.s32 @!p2 $0x0  }
0x1d: {  	s5 =	simm.s32 @p1 $0x1;
	p0 =	seq.s32 s7, s2  }
0x1e: {  	s7 =	smul.u32 @!p0 $0xF7A, s2;
	p2 =	seq.s32 @!p0 s5, $0x0  }
0x1f: {  	s9 =	smul.u32 $0xF7A, s1;
	s8 =	simm.s32 @!p0 $0x1BF5;
	p2 =	por !p2, p0  }
0x20: {  	[sflag:s8] =	ssyncset.s32 @!p0 $0xFFFFF086;
	s6 =	sadd.s32 @!p0 s3, s7;
	s7 =	simm.s32 @!p0 $0x108  }
0x21: {  	s3 =	sadd.s32 s3, s9;
	s6 =	sadd.s32 @!p0 $0x88, s6;
	s7 =	simm.s32 @p2 $0x1082  }
0x22: {  	[simem:s7], [sflag:s8] =	dma.local @!p0 [hbm:s6], $0xF7A  }
0x23: {  	s9 =	sor.u32 $0xD0000000, s2;
	s6 =	simm.s32 $0x108;
	_ =	swait.ge @!p0 [sflag:s8], $0x0  }
0x24: {  	s3 =	sadd.s32 $0x88, s3;
	s6 =	simm.s32 @!p1 $0x1082;
	[sflag:s4] =	ssyncset.s32 $0xFFFFF086  }
0x25: {  	[simem:s6], [sflag:s4] =	dma.local [hbm:s3], $0xF7A  }
0x26: {  	[smem:$0x3F9F] =	sst s1;
	(tag) =	ssettag s2;
	_ =	strace s9  }
0x27: {  	s1 =	sld [smem:$0x3FAF]  }
0x28: {  	s2 =	sld [smem:$0x3FB0]  }
0x29: {  	s4 =	sld [smem:$0x3FB2]  }
0x2a: {  	p0 =	seq.s32 s5, $0x0;
	s5 =	sld [smem:$0x3FB3]  }
0x2b: {  	s6 =	sld [smem:$0x3FB4]  }
0x2c: {  	s7 =	sld [smem:$0x3FB5]  }
0x2d: {  	s3 =	simm.s32 $0x108;
	s8 =	sld [smem:$0x3FB6]  }
0x2e: {  	s3 =	simm.s32 @!p0 $0x1082;
	s9 =	sld [smem:$0x3FB7]  }
0x2f: {  	lr =	sadd.s32 s0, s3;
	s0 =	sld [smem:$0x3FAE]  }
0x30: {  	s3 =	sld [smem:$0x3FB1]  }
0x31: {  	[smem:$0x3FBA] =	sst s10  }
0x32: {  	s10 =	sld [smem:$0x3FB8];
	_ =	sdelay $0x3  }
0x33: {  	p0 =	seq.s32 s10, $0x1;
	s10 =	sld [smem:$0x3FBA];
	_ =	sdelay $0x3  }
0x34: {  	[smem:$0x3FBA] =	sst s10  }
0x35: {  	s10 =	sld [smem:$0x3FB9];
	_ =	sdelay $0x3  }
0x36: {  	p1 =	seq.s32 s10, $0x1;
	s10 =	sld [smem:$0x3FBA];
	_ =	sdelay $0x3  }
0x37: {  	[smem:$0x3FBA] =	sst s10  }
0x38: {  	s10 =	sld [smem:$0x3FBB]  }
0x39: {  	_ = 	snop;
	(pc) =	sbr.ind lr, $3  }
0x3a: {  	_ = 	snop  }
0x3b: {  	_ = 	snop  }
0x3c: {  	p2 =	seq.s32 s10, $0x1;
	s10 =	sld [smem:$0x3FBA]  }
0x3d: {  	_ =	shalt  }
0x3e: {  	_ =	shalt  }
0x3f: {  	_ =	shalt  }
0x40: {  	_ =	shalt  }
0x41: {  	_ =	shalt  }
0x42: {  	_ =	shalt  }
0x43: {  	_ =	shalt  }
0x44: {  	_ =	shalt  }
0x45: {  	_ =	shalt  }
0x46: {  	_ =	shalt  }
0x47: {  	_ =	shalt  }
0x48: {  	_ =	shalt  }
0x49: {  	_ =	shalt  }
0x4a: {  	_ =	shalt  }
0x4b: {  	_ =	shalt  }
0x4c: {  	_ =	shalt  }
0x4d: {  	_ =	shalt  }
0x4e: {  	_ =	shalt  }
0x4f: {  	_ =	shalt  }
0x50: {  	_ =	shalt  }
0x51: {  	_ =	shalt  }
0x52: {  	_ =	shalt  }
0x53: {  	_ =	shalt  }
0x54: {  	_ =	shalt  }
0x55: {  	_ =	shalt  }
0x56: {  	_ =	shalt  }
0x57: {  	_ =	shalt  }
0x58: {  	_ =	shalt  }
0x59: {  	_ =	shalt  }
0x5a: {  	_ =	shalt  }
0x5b: {  	_ =	shalt  }
0x5c: {  	_ =	shalt  }
0x5d: {  	_ =	shalt  }
0x5e: {  	_ =	shalt  }
0x5f: {  	_ =	shalt  }
0x60: {  	_ =	shalt  }
0x61: {  	_ =	shalt  }
0x62: {  	_ =	shalt  }
0x63: {  	_ =	shalt  }
0x64: {  	_ =	shalt  }
0x65: {  	_ =	shalt  }
0x66: {  	_ =	shalt  }
0x67: {  	_ =	shalt  }
0x68: {  	_ =	shalt  }
0x69: {  	_ =	shalt  }
0x6a: {  	_ =	shalt  }
0x6b: {  	_ =	shalt  }
0x6c: {  	_ =	shalt  }
0x6d: {  	_ =	shalt  }
0x6e: {  	_ =	shalt  }
0x6f: {  	_ =	shalt  }
0x70: {  	_ =	shalt  }
0x71: {  	_ =	shalt  }
0x72: {  	_ =	shalt  }
0x73: {  	_ =	shalt  }
0x74: {  	_ =	shalt  }
0x75: {  	_ =	shalt  }
0x76: {  	_ =	shalt  }
0x77: {  	_ =	shalt  }
0x78: {  	_ =	shalt  }
0x79: {  	_ =	shalt  }
0x7a: {  	_ =	shalt  }
0x7b: {  	_ =	shalt  }
0x7c: {  	_ =	shalt  }
0x7d: {  	_ =	shalt  }
0x7e: {  	_ =	shalt  }
0x7f: {  	_ =	shalt  }
0x80: {  	_ =	shalt  }
0x81: {  	_ =	shalt  }
0x82: {  	_ =	shalt  }
0x83: {  	_ =	shalt  }
0x84: {  	_ =	shalt  }
0x85: {  	_ =	shalt  }
0x86: {  	_ =	shalt  }
0x87: {  	_ =	shalt  }
.Lfunc_end0:
.L_simem_size_0:
called_computation_lowered:
.L_overlay_start_0:
0x88: {  	s2 =	sld [smem:$0x3FD9]  }
0x89: {  	s3 =	sld [smem:$0x3FFE];
	_ =	sdelay $0x1  }
0x8a: {  	s1 =	srdreg.scid  }
0x8b: {  	s0 =	sand.u32 $0x1, s1  }
0x8c: {  	s14 =	sshll.u32 s0, $0xA;
	s2 =	sadd.s32 s3, s2  }
0x8d: {  	s2 =	sadd.s32 s2, s14  }
0x8e: {  	[smem:$0x3FC6] =	sst s2  }
0x8f: {  	_ = 	snop  }
0x90: {  	s2 =	sld [smem:$0x3FD0];
	_ =	sdelay $0x2  }
0x91: {  	s15 =	simm.s32 $0xA;
	s4 =	simm.s32 $0x10  }
0x92: {  	[smem:s4], [sflag:s15] =	dma.local [hbm:s2], $0x1  }
0x93: {  	_ =	swait.eq [sflag:s15], $0x1  }
0x94: {  	[sflag:s15] =	ssyncset.done $0x0  }
0x95: {  	[sflag:s15] =	ssyncadd.s32 $0xFFFFFFFF  }
0x96: {  	s16 =	sld [smem:$0x10];
	(tm) =	ssettm $0x1  }
0x97: {  	s17 =	sld [smem:$0x3FFB];
	_ =	sdelay $0x3  }
0x98: {  	_ =	strace s17  }
0x99: {  	s3 =	sld [smem:$0x3FFC];
	_ =	sdelay $0x3  }
0x9a: {  	_ =	strace s3  }
0x9b: {  	s3 =	sld [smem:$0x3FFD];
	_ =	sdelay $0x3  }
0x9c: {  	_ =	strace s3  }
0x9d: {  	_ =	strace $0x8FFFFFFF  }
0x9e: {  	s18 =	sld [smem:$0x3FDB];
	_ =	sdelay $0x1  }
0x9f: {  	s19 =	simm.s32 $_scs_section_size  }
0xa0: {  	s5 =	simm.s32 $_size__tile_overlayer_lowered;
	s6 =	simm.s32 $_tile_overlayer_lowered  }
0xa1: {  	s22 =	simm.s32 $0x1BFF;
	s21 =	sshll.u32 s6, $0x1;
	s3 =	sadd.s32 s19, s18  }
0xa2: {  	s7 =	simm.s32 $0x0;
	s20 =	sshll.u32 s5, $0x1;
	s5 =	sadd.s32 s21, s3  }
0xa3: {  	[timem:s7], [sflag:s22] =	dma.local [hbm:s5], s20  }
0xa4: {  	_ =	swait.ge [sflag:s22], s20  }
0xa5: {  	s4 =	ssub.s32 $0x0, s20;
	[sflag:s22] =	ssyncset.done $0x0  }
0xa6: {  	[sflag:s22] =	ssyncadd.s32 s4;
	_ =	sdelay $0x1  }
0xa7: {  	s23 =	simm.s32 $0x1B8B  }
0xa8: {  	_ =	swait.ge [sflag:s23], $0x1  }
0xa9: {  	[sflag:s23] =	ssyncset.done $0x0  }
0xaa: {  	s25 =	simm.s32 $0x1B8E;
	s24 =	sld [smem:$0x3FFE];
	[sflag:s23] =	ssyncadd.s32 $0xFFFFFFFF  }
0xab: {  	s26 =	simm.s32 $execute0_lowered;
	[smem:$0x3FD2] =	sst s25  }
0xac: {  	s5 =	sshll.u32 s26, $0x1;
	_ =	strace $0x80000046;
	[dreg:$0x1] =	wrdreg $0xFFFFFFFF  }
0xad: {  	s28 =	simm.s32 $_size_execute0_lowered;
	s3 =	sadd.s32 s3, s5;
	[dreg:$0x0] =	wrdreg $0x0  }
0xae: {  	s5 =	sshll.u32 s28, $0x1;
	[dreg:$0x2] =	wrdreg s3  }
0xaf: {  	[dreg:$0x3] =	wrdreg s5  }
0xb0: {  	[dreg:$0x4] =	wrdreg $0xC0  }
0xb1: {  	_ =	task [dreg:s7], $0x5FFFF  }
0xb2: {  	[dreg:$0x1] =	wrdreg $0xFFFFFFFF  }
0xb3: {  	[dreg:$0x0] =	wrdreg $0x60  }
0xb4: {  	[dreg:$0x2] =	wrdreg s24  }
0xb5: {  	[dreg:$0x3] =	wrdreg s16  }
0xb6: {  	[dreg:$0x4] =	wrdreg $0x9  }
0xb7: {  	_ =	task.clear_ibuf [dreg:s7], $0x5FFFF;
	_ =	strace $0x90000046  }
0xb8: {  	s29 =	simm.s32 $0x9;
	_ =	strace $0x80000048  }
0xb9: {  	_ =	swait.ge [sflag:s29], $0x1  }
0xba: {  	[sflag:s29] =	ssyncadd.s32 $0xFFFFFFFF  }
0xbb: {  	_ =	strace $0x90000048  }
0xbc: {  	_ =	sfence  }
0xbd: {  	s30 =	sld [smem:$0x0];
	_ =	sdelay $0x2  }
0xbe: {  	s31 =	sshll.u32 s1, $0xD;
	s1 =	sshrl.u32 s1, $0x2  }
0xbf: {  	s3 =	sand.u32 $0x4000, s31;
	s1 =	sadd.s32 s1, s30  }
0xc0: {  	s0 =	sor.u32 s3, s0;
	s1 =	sshll.u32 s1, $0x11  }
0xc1: {  	s0 =	sor.u32 s1, s0  }
0xc2: {  	s0 =	sadd.s32 $0x8F2B, s0  }
0xc3: {  	[sflag:s0] =	ssyncadd.remote.s32 $0x1  }
0xc4: {  	_ =	sfence.sel $0xFFFF  }
0xc5: {  	[dreg:$0x0] =	wrdreg $0xFFFFFFFF;
	(pc) =	sbr.abs _section_cstart, $3  }
0xc6: {  	[dreg:$0x1] =	wrdreg $0xFFFFFFFF  }
0xc7: {  	_ =	task.clear_ibuf [dreg:s7], $0x2FFFF;
	_ =	strace $0x9FFFFFFF  }
0xc8: {  	(tm) =	ssettm $0x7FFFFFFF  }
0xc9: {  	_ =	shalt  }
tec
execute0_lowered:
.L_overlay_start_1:
0x0: {  	(tag) =	ssettag $0x1  }
0x1: {  	s1 =	srdreg.scid;
	s2 =	rddreg [dreg:$0x0]  }
0x2: {  	s0 =	stileid.u32;
	s5 =	rddreg [dreg:$0x1];
	s19 =	simm.s32 $0x900  }
0x3: {  	s20 =	simm.s32 $0x1100;
	s21 =	simm.s32 $0x1900;
	s23 =	simm.s32 $0x2100  }
0x4: {  	s24 =	simm.s32 $0x2900;
	s25 =	simm.s32 $0x3100;
	s26 =	simm.s32 $0x3900  }
0x5: {  	s8 =	simm.s32 $0x4900;
	s9 =	simm.s32 $0x5100;
	s10 =	simm.s32 $0x5900  }
0x6: {  	s11 =	simm.s32 $0x6100;
	s12 =	simm.s32 $0x6900;
	s13 =	simm.s32 $0x7100  }
0x7: {  	s14 =	simm.s32 $0x7900;
	s15 =	simm.s32 $0x8100;
	s1 =	sand.u32 $0x1, s1  }
0x8: {  	s16 =	simm.s32 $0x8900;
	s3 =	sshll.u32 s0, $0x9;
	s4 =	sshll.u32 s1, $0x8  }
0x9: {  	s17 =	simm.s32 $0x9100;
	s4 =	sor.u32 s4, s3;
	s3 =	simm.s32 $0x0  }
0xa: {  	s18 =	simm.s32 $0x9900;
	s28 =	simm.s32 $0xE100;
	[smem:$0x7FF] =	sst s3  }
0xb: {  	s29 =	simm.s32 $0xE900;
	_ =	strace $0x80000047;
	[dreg:$0x5] =	wrdreg s19  }
0xc: {  	s30 =	simm.s32 $0xF100;
	s1 =	ssub.s32 $0x2, s1;
	[dreg:$0x6] =	wrdreg s20  }
0xd: {  	s31 =	simm.s32 $0xF900;
	s22 =	sshrl.u32 s1, $0x1;
	[dreg:$0x7] =	wrdreg s21  }
0xe: {  	s6 =	sshrl.u32 s4, $0x3;
	s4 =	sshll.u32 s4, $0x5;
	[dreg:$0x8] =	wrdreg s23  }
0xf: {  	s1 =	ssub.s32 s1, s22;
	s22 =	simm.s32 $0xB900;
	[dreg:$0x9] =	wrdreg s24  }
0x10: {  	s6 =	sadd.s32 s6, s2;
	s4 =	sadd.s32 s5, s4;
	[dreg:$0xa] =	wrdreg s25  }
0x11: {  	s5 =	simm.s32 $0x2;
	[dreg:$0xb] =	wrdreg s26;
	s19 =	simm.s32 $0xA100  }
0x12: {  	s20 =	simm.s32 $0xA900;
	s21 =	simm.s32 $0xB100;
	s23 =	simm.s32 $0xC100  }
0x13: {  	v2 =	vlaneseq.u32;
	s24 =	simm.s32 $0xC900;
	s25 =	simm.s32 $0xD100;
	s26 =	simm.s32 $0xD900  }
0x14: {  	vm0 =	vmmov $0xffff;
	v1 =	vshrl.u32 v2, $0x3;
	s6 =	sadd.s32 $0x40000, s6;
	[dreg:$0x4] =	wrdreg s4;
	s4 =	smax.u32 s1, $0x1  }
0x15: {  	v0 =	vand.u32 $0x7, v2;
	v2 =	vor.u32 $0x8, v2;
	v1 =	vmul.u32 $0x8, v1;
	s1 =	simm.s32 $0x1;
	[dreg:$0x3] =	wrdreg s6;
	s6 =	simm.s32 $0x100  }
.LBB2_1:
0x16: {  	s0 =	rddreg [dreg:$0x3]  }
0x17: {  	[tilespmem:s3], [sflag:$0x2] =	stream.linear.gather [hbm4b:s0+s3], $0x100, $0x38;
	[tilespmem:$0x10100] =	vst v63  }
0x18: {  	_ =	swait.ge [sflag:s5], $0x100  }
0x19: {  	[sflag:s5] =	ssyncset.done $0x0  }
0x1a: {  	[sflag:s5] =	ssyncadd.s32 $0xFFFFFF00  }
0x1b: {  	v3 =	vld [tilespmem:$0x0];
	_ =	sdelay $0x4  }
0x1c: {  	v4 =	vshll.u32 v3, $0x1  }
0x1d: {  	v3 =	vand.u32 $0x7, v3;
	v4 =	vand.u32 $0xFFFFFFF0, v4  }
0x1e: {  	v3 =	vor.u32 v3, v4  }
0x1f: {  	v4 =	vperm.xlane v3, v0;
	_ =	sdelay $0x1  }
0x20: {  	v3 =	vperm.xlane v3, v2;
	v4 =	vadd.s32 v1, v4;
	_ =	sdelay $0x1  }
0x21: {  	v3 =	vadd.s32 v1, v3;
	_ =	sdelay $0x2  }
0x22: {  	[tilespmem:s6], [sflag:$0x1] =	stream.indirect_vreg.gather [hbm4b:s2+s3], $0x80, v4, vm0, $0xb8;
	[tilespmem:$0x10100] =	vst v63  }
0x23: {  	s7 =	rddreg [dreg:$0x5]  }
0x24: {  	[tilespmem:s7], [sflag:$0x1] =	stream.indirect_vreg.gather [hbm4b:s2+s3], $0x80, v3, vm0, $0xb8;
	[tilespmem:$0x10100] =	vst v63  }
0x25: {  	v3 =	vld [tilespmem:$0x10];
	_ =	sdelay $0x4  }
0x26: {  	v49 =	vshll.u32 v3, $0x1  }
0x27: {  	v3 =	vand.u32 $0x7, v3;
	v4 =	vand.u32 $0xFFFFFFF0, v49  }
0x28: {  	v3 =	vor.u32 v3, v4  }
0x29: {  	v4 =	vperm.xlane v3, v0;
	_ =	sdelay $0x1  }
0x2a: {  	v3 =	vperm.xlane v3, v2;
	v4 =	vadd.s32 v1, v4;
	_ =	sdelay $0x1  }
0x2b: {  	v3 =	vadd.s32 v1, v3;
	_ =	sdelay $0x1  }
0x2c: {  	s0 =	rddreg [dreg:$0x6]  }
0x2d: {  	[tilespmem:s0], [sflag:$0x1] =	stream.indirect_vreg.gather [hbm4b:s2+s3], $0x80, v4, vm0, $0xb8;
	[tilespmem:$0x10100] =	vst v63  }
0x2e: {  	s7 =	rddreg [dreg:$0x7]  }
0x2f: {  	[tilespmem:s7], [sflag:$0x1] =	stream.indirect_vreg.gather [hbm4b:s2+s3], $0x80, v3, vm0, $0xb8;
	[tilespmem:$0x10100] =	vst v63  }
0x30: {  	v3 =	vld [tilespmem:$0x20];
	_ =	sdelay $0x4  }
0x31: {  	v50 =	vshll.u32 v3, $0x1  }
0x32: {  	v3 =	vand.u32 $0x7, v3;
	v4 =	vand.u32 $0xFFFFFFF0, v50  }
0x33: {  	v3 =	vor.u32 v3, v4  }
0x34: {  	v4 =	vperm.xlane v3, v0;
	_ =	sdelay $0x1  }
0x35: {  	v3 =	vperm.xlane v3, v2;
	v4 =	vadd.s32 v1, v4;
	_ =	sdelay $0x1  }
0x36: {  	v3 =	vadd.s32 v1, v3;
	_ =	sdelay $0x1  }
0x37: {  	s0 =	rddreg [dreg:$0x8]  }
0x38: {  	[tilespmem:s0], [sflag:$0x1] =	stream.indirect_vreg.gather [hbm4b:s2+s3], $0x80, v4, vm0, $0xb8;
	[tilespmem:$0x10100] =	vst v63  }
0x39: {  	s7 =	rddreg [dreg:$0x9]  }
0x3a: {  	[tilespmem:s7], [sflag:$0x1] =	stream.indirect_vreg.gather [hbm4b:s2+s3], $0x80, v3, vm0, $0xb8;
	[tilespmem:$0x10100] =	vst v63  }
0x3b: {  	v3 =	vld [tilespmem:$0x30];
	_ =	sdelay $0x4  }
0x3c: {  	v51 =	vshll.u32 v3, $0x1  }
0x3d: {  	v3 =	vand.u32 $0x7, v3;
	v4 =	vand.u32 $0xFFFFFFF0, v51  }
0x3e: {  	v3 =	vor.u32 v3, v4  }
0x3f: {  	v4 =	vperm.xlane v3, v0;
	_ =	sdelay $0x1  }
0x40: {  	v3 =	vperm.xlane v3, v2;
	v4 =	vadd.s32 v1, v4;
	_ =	sdelay $0x1  }
0x41: {  	v3 =	vadd.s32 v1, v3;
	_ =	sdelay $0x1  }
0x42: {  	s0 =	rddreg [dreg:$0xa]  }
0x43: {  	[tilespmem:s0], [sflag:$0x1] =	stream.indirect_vreg.gather [hbm4b:s2+s3], $0x80, v4, vm0, $0xb8;
	[tilespmem:$0x10100] =	vst v63  }
0x44: {  	s7 =	rddreg [dreg:$0xb]  }
0x45: {  	[tilespmem:s7], [sflag:$0x1] =	stream.indirect_vreg.gather [hbm4b:s2+s3], $0x80, v3, vm0, $0xb8;
	[tilespmem:$0x10100] =	vst v63  }
0x46: {  	v3 =	vld [tilespmem:$0x40];
	_ =	sdelay $0x4  }
0x47: {  	v52 =	vshll.u32 v3, $0x1  }
0x48: {  	v3 =	vand.u32 $0x7, v3;
	v4 =	vand.u32 $0xFFFFFFF0, v52  }
0x49: {  	v3 =	vor.u32 v3, v4  }
0x4a: {  	v4 =	vperm.xlane v3, v0;
	_ =	sdelay $0x1  }
0x4b: {  	v3 =	vperm.xlane v3, v2;
	v4 =	vadd.s32 v1, v4;
	_ =	sdelay $0x1  }
0x4c: {  	v3 =	vadd.s32 v1, v3;
	_ =	sdelay $0x1  }
0x4d: {  	s7 =	simm.s32 $0x4100  }
0x4e: {  	[tilespmem:s7], [sflag:$0x1] =	stream.indirect_vreg.gather [hbm4b:s2+s3], $0x80, v4, vm0, $0xb8;
	[tilespmem:$0x10100] =	vst v63  }
0x4f: {  	_ = 	snop  }
0x50: {  	[tilespmem:s8], [sflag:$0x1] =	stream.indirect_vreg.gather [hbm4b:s2+s3], $0x80, v3, vm0, $0xb8;
	[tilespmem:$0x10100] =	vst v63  }
0x51: {  	v3 =	vld [tilespmem:$0x50];
	_ =	sdelay $0x4  }
0x52: {  	v53 =	vshll.u32 v3, $0x1  }
0x53: {  	v3 =	vand.u32 $0x7, v3;
	v4 =	vand.u32 $0xFFFFFFF0, v53  }
0x54: {  	v3 =	vor.u32 v3, v4  }
0x55: {  	v4 =	vperm.xlane v3, v0;
	_ =	sdelay $0x1  }
0x56: {  	v3 =	vperm.xlane v3, v2;
	v4 =	vadd.s32 v1, v4;
	_ =	sdelay $0x1  }
0x57: {  	v3 =	vadd.s32 v1, v3;
	_ =	sdelay $0x2  }
0x58: {  	[tilespmem:s9], [sflag:$0x1] =	stream.indirect_vreg.gather [hbm4b:s2+s3], $0x80, v4, vm0, $0xb8;
	[tilespmem:$0x10100] =	vst v63  }
0x59: {  	_ = 	snop  }
0x5a: {  	[tilespmem:s10], [sflag:$0x1] =	stream.indirect_vreg.gather [hbm4b:s2+s3], $0x80, v3, vm0, $0xb8;
	[tilespmem:$0x10100] =	vst v63  }
0x5b: {  	v3 =	vld [tilespmem:$0x60];
	_ =	sdelay $0x4  }
0x5c: {  	v54 =	vshll.u32 v3, $0x1  }
0x5d: {  	v3 =	vand.u32 $0x7, v3;
	v4 =	vand.u32 $0xFFFFFFF0, v54  }
0x5e: {  	v3 =	vor.u32 v3, v4  }
0x5f: {  	v4 =	vperm.xlane v3, v0;
	_ =	sdelay $0x1  }
0x60: {  	v3 =	vperm.xlane v3, v2;
	v4 =	vadd.s32 v1, v4;
	_ =	sdelay $0x1  }
0x61: {  	v3 =	vadd.s32 v1, v3;
	_ =	sdelay $0x2  }
0x62: {  	[tilespmem:s11], [sflag:$0x1] =	stream.indirect_vreg.gather [hbm4b:s2+s3], $0x80, v4, vm0, $0xb8;
	[tilespmem:$0x10100] =	vst v63  }
0x63: {  	_ = 	snop  }
0x64: {  	[tilespmem:s12], [sflag:$0x1] =	stream.indirect_vreg.gather [hbm4b:s2+s3], $0x80, v3, vm0, $0xb8;
	[tilespmem:$0x10100] =	vst v63  }
0x65: {  	v3 =	vld [tilespmem:$0x70];
	_ =	sdelay $0x4  }
0x66: {  	v55 =	vshll.u32 v3, $0x1  }
0x67: {  	v3 =	vand.u32 $0x7, v3;
	v4 =	vand.u32 $0xFFFFFFF0, v55  }
0x68: {  	v3 =	vor.u32 v3, v4  }
0x69: {  	v4 =	vperm.xlane v3, v0;
	_ =	sdelay $0x1  }
0x6a: {  	v3 =	vperm.xlane v3, v2;
	v4 =	vadd.s32 v1, v4;
	_ =	sdelay $0x1  }
0x6b: {  	v3 =	vadd.s32 v1, v3;
	_ =	sdelay $0x2  }
0x6c: {  	[tilespmem:s13], [sflag:$0x1] =	stream.indirect_vreg.gather [hbm4b:s2+s3], $0x80, v4, vm0, $0xb8;
	[tilespmem:$0x10100] =	vst v63  }
0x6d: {  	_ = 	snop  }
0x6e: {  	[tilespmem:s14], [sflag:$0x1] =	stream.indirect_vreg.gather [hbm4b:s2+s3], $0x80, v3, vm0, $0xb8;
	[tilespmem:$0x10100] =	vst v63  }
0x6f: {  	v3 =	vld [tilespmem:$0x80];
	_ =	sdelay $0x4  }
0x70: {  	v56 =	vshll.u32 v3, $0x1  }
0x71: {  	v3 =	vand.u32 $0x7, v3;
	v4 =	vand.u32 $0xFFFFFFF0, v56  }
0x72: {  	v3 =	vor.u32 v3, v4  }
0x73: {  	v4 =	vperm.xlane v3, v0;
	_ =	sdelay $0x1  }
0x74: {  	v3 =	vperm.xlane v3, v2;
	v4 =	vadd.s32 v1, v4;
	_ =	sdelay $0x1  }
0x75: {  	v3 =	vadd.s32 v1, v3;
	_ =	sdelay $0x2  }
0x76: {  	[tilespmem:s15], [sflag:$0x1] =	stream.indirect_vreg.gather [hbm4b:s2+s3], $0x80, v4, vm0, $0xb8;
	[tilespmem:$0x10100] =	vst v63  }
0x77: {  	_ = 	snop  }
0x78: {  	[tilespmem:s16], [sflag:$0x1] =	stream.indirect_vreg.gather [hbm4b:s2+s3], $0x80, v3, vm0, $0xb8;
	[tilespmem:$0x10100] =	vst v63  }
0x79: {  	v3 =	vld [tilespmem:$0x90];
	_ =	sdelay $0x4  }
0x7a: {  	v57 =	vshll.u32 v3, $0x1  }
0x7b: {  	v3 =	vand.u32 $0x7, v3;
	v4 =	vand.u32 $0xFFFFFFF0, v57  }
0x7c: {  	v3 =	vor.u32 v3, v4  }
0x7d: {  	v4 =	vperm.xlane v3, v0;
	_ =	sdelay $0x1  }
0x7e: {  	v3 =	vperm.xlane v3, v2;
	v4 =	vadd.s32 v1, v4;
	_ =	sdelay $0x1  }
0x7f: {  	v3 =	vadd.s32 v1, v3;
	_ =	sdelay $0x2  }
0x80: {  	[tilespmem:s17], [sflag:$0x1] =	stream.indirect_vreg.gather [hbm4b:s2+s3], $0x80, v4, vm0, $0xb8;
	[tilespmem:$0x10100] =	vst v63  }
0x81: {  	_ = 	snop  }
0x82: {  	[tilespmem:s18], [sflag:$0x1] =	stream.indirect_vreg.gather [hbm4b:s2+s3], $0x80, v3, vm0, $0xb8;
	[tilespmem:$0x10100] =	vst v63  }
0x83: {  	v3 =	vld [tilespmem:$0xA0];
	_ =	sdelay $0x4  }
0x84: {  	v58 =	vshll.u32 v3, $0x1  }
0x85: {  	v3 =	vand.u32 $0x7, v3;
	v4 =	vand.u32 $0xFFFFFFF0, v58  }
0x86: {  	v3 =	vor.u32 v3, v4  }
0x87: {  	v4 =	vperm.xlane v3, v0;
	_ =	sdelay $0x1  }
0x88: {  	v3 =	vperm.xlane v3, v2;
	v4 =	vadd.s32 v1, v4;
	_ =	sdelay $0x1  }
0x89: {  	v3 =	vadd.s32 v1, v3;
	_ =	sdelay $0x2  }
0x8a: {  	[tilespmem:s19], [sflag:$0x1] =	stream.indirect_vreg.gather [hbm4b:s2+s3], $0x80, v4, vm0, $0xb8;
	[tilespmem:$0x10100] =	vst v63  }
0x8b: {  	_ = 	snop  }
0x8c: {  	[tilespmem:s20], [sflag:$0x1] =	stream.indirect_vreg.gather [hbm4b:s2+s3], $0x80, v3, vm0, $0xb8;
	[tilespmem:$0x10100] =	vst v63  }
0x8d: {  	v3 =	vld [tilespmem:$0xB0];
	_ =	sdelay $0x4  }
0x8e: {  	v59 =	vshll.u32 v3, $0x1  }
0x8f: {  	v3 =	vand.u32 $0x7, v3;
	v4 =	vand.u32 $0xFFFFFFF0, v59  }
0x90: {  	v3 =	vor.u32 v3, v4  }
0x91: {  	v4 =	vperm.xlane v3, v0;
	_ =	sdelay $0x1  }
0x92: {  	v3 =	vperm.xlane v3, v2;
	v4 =	vadd.s32 v1, v4;
	_ =	sdelay $0x1  }
0x93: {  	v3 =	vadd.s32 v1, v3;
	_ =	sdelay $0x2  }
0x94: {  	[tilespmem:s21], [sflag:$0x1] =	stream.indirect_vreg.gather [hbm4b:s2+s3], $0x80, v4, vm0, $0xb8;
	[tilespmem:$0x10100] =	vst v63  }
0x95: {  	_ = 	snop  }
0x96: {  	[tilespmem:s22], [sflag:$0x1] =	stream.indirect_vreg.gather [hbm4b:s2+s3], $0x80, v3, vm0, $0xb8;
	[tilespmem:$0x10100] =	vst v63  }
0x97: {  	v3 =	vld [tilespmem:$0xC0];
	_ =	sdelay $0x4  }
0x98: {  	v60 =	vshll.u32 v3, $0x1  }
0x99: {  	v3 =	vand.u32 $0x7, v3;
	v4 =	vand.u32 $0xFFFFFFF0, v60  }
0x9a: {  	v3 =	vor.u32 v3, v4  }
0x9b: {  	v4 =	vperm.xlane v3, v0;
	_ =	sdelay $0x1  }
0x9c: {  	v3 =	vperm.xlane v3, v2;
	v4 =	vadd.s32 v1, v4;
	_ =	sdelay $0x1  }
0x9d: {  	v3 =	vadd.s32 v1, v3;
	_ =	sdelay $0x2  }
0x9e: {  	[tilespmem:s23], [sflag:$0x1] =	stream.indirect_vreg.gather [hbm4b:s2+s3], $0x80, v4, vm0, $0xb8;
	[tilespmem:$0x10100] =	vst v63  }
0x9f: {  	_ = 	snop  }
0xa0: {  	[tilespmem:s24], [sflag:$0x1] =	stream.indirect_vreg.gather [hbm4b:s2+s3], $0x80, v3, vm0, $0xb8;
	[tilespmem:$0x10100] =	vst v63  }
0xa1: {  	v3 =	vld [tilespmem:$0xD0];
	_ =	sdelay $0x4  }
0xa2: {  	v61 =	vshll.u32 v3, $0x1  }
0xa3: {  	v3 =	vand.u32 $0x7, v3;
	v4 =	vand.u32 $0xFFFFFFF0, v61  }
0xa4: {  	v3 =	vor.u32 v3, v4  }
0xa5: {  	v4 =	vperm.xlane v3, v0;
	_ =	sdelay $0x1  }
0xa6: {  	v3 =	vperm.xlane v3, v2;
	v4 =	vadd.s32 v1, v4;
	_ =	sdelay $0x1  }
0xa7: {  	v3 =	vadd.s32 v1, v3;
	_ =	sdelay $0x2  }
0xa8: {  	[tilespmem:s25], [sflag:$0x1] =	stream.indirect_vreg.gather [hbm4b:s2+s3], $0x80, v4, vm0, $0xb8;
	[tilespmem:$0x10100] =	vst v63  }
0xa9: {  	_ = 	snop  }
0xaa: {  	[tilespmem:s26], [sflag:$0x1] =	stream.indirect_vreg.gather [hbm4b:s2+s3], $0x80, v3, vm0, $0xb8;
	[tilespmem:$0x10100] =	vst v63  }
0xab: {  	v3 =	vld [tilespmem:$0xE0];
	_ =	sdelay $0x4  }
0xac: {  	v62 =	vshll.u32 v3, $0x1  }
0xad: {  	v3 =	vand.u32 $0x7, v3;
	v4 =	vand.u32 $0xFFFFFFF0, v62  }
0xae: {  	v3 =	vor.u32 v3, v4  }
0xaf: {  	v4 =	vperm.xlane v3, v0;
	_ =	sdelay $0x1  }
0xb0: {  	v3 =	vperm.xlane v3, v2;
	v4 =	vadd.s32 v1, v4;
	_ =	sdelay $0x1  }
0xb1: {  	v3 =	vadd.s32 v1, v3;
	_ =	sdelay $0x2  }
0xb2: {  	[tilespmem:s28], [sflag:$0x1] =	stream.indirect_vreg.gather [hbm4b:s2+s3], $0x80, v4, vm0, $0xb8;
	[tilespmem:$0x10100] =	vst v63  }
0xb3: {  	_ = 	snop  }
0xb4: {  	[tilespmem:s29], [sflag:$0x1] =	stream.indirect_vreg.gather [hbm4b:s2+s3], $0x80, v3, vm0, $0xb8;
	[tilespmem:$0x10100] =	vst v63  }
0xb5: {  	v3 =	vld [tilespmem:$0xF0];
	_ =	sdelay $0x4  }
0xb6: {  	v63 =	vshll.u32 v3, $0x1  }
0xb7: {  	v3 =	vand.u32 $0x7, v3;
	v4 =	vand.u32 $0xFFFFFFF0, v63  }
0xb8: {  	v3 =	vor.u32 v3, v4  }
0xb9: {  	v4 =	vperm.xlane v3, v0;
	_ =	sdelay $0x1  }
0xba: {  	v3 =	vperm.xlane v3, v2;
	v4 =	vadd.s32 v1, v4;
	_ =	sdelay $0x1  }
0xbb: {  	v3 =	vadd.s32 v1, v3;
	_ =	sdelay $0x2  }
0xbc: {  	[tilespmem:s30], [sflag:$0x1] =	stream.indirect_vreg.gather [hbm4b:s2+s3], $0x80, v4, vm0, $0xb8;
	[tilespmem:$0x10100] =	vst v63  }
0xbd: {  	_ = 	snop  }
0xbe: {  	[tilespmem:s31], [sflag:$0x1] =	stream.indirect_vreg.gather [hbm4b:s2+s3], $0x80, v3, vm0, $0xb8;
	[tilespmem:$0x10100] =	vst v63  }
0xbf: {  	_ =	swait.ge [sflag:s1], $0x10000  }
0xc0: {  	p0 =	sne.s32 s4, $0x1;
	[sflag:s1] =	ssyncset.done $0x0  }
.Ltmp0:
0xc1: {  	s7 =	rddreg [dreg:$0x4];
	[sflag:s1] =	ssyncadd.s32 $0xFFFF0000;
	(pc) =	sbr.rel @p0 .LBB2_1-.Ltmp0, $4  }
0xc2: {  	[hbm4b:s7+s3] =	stream.linear.scatter [tilespmem:s6], [sflag:$0x2], $0x10000, $0x38;
	[tilespmem:$0x10100] =	vst v63  }
0xc3: {  	_ =	swait.ge [sflag:s5], $0x10000  }
0xc4: {  	[sflag:s5] =	ssyncset.done $0x0  }
0xc5: {  	s4 =	sadd.s32 $0xFFFFFFFF, s4;
	[sflag:s5] =	ssyncadd.s32 $0xFFFF0000  }
0xc6: {  	_ =	sfence.sel $0x180000  }
0xc7: {  	[bflag:$0x0] =	sbarrier.arrive $0xFFFF  }
0xc8: {  	_ =	strace $0x90000047  }
0xc9: {  	s0 =	stileid.u32;
	[bflag:$0x2] =	sbarrier.arrive $0xFFFF  }
0xca: {  	p0 =	sne.s32 s0, $0x0;
	s0 =	rddreg [dreg:$0x2]  }
0xcb: {  	s0 =	sadd.s32 @!p0 $0x100000, s0  }
0xcc: {  	[sflag:s0] =	ssyncadd.tile.s32 @!p0 $0x1;
	_ =	shalt  }
.Lfunc_end2:
_tile_overlayer_lowered:
.L_overlay_start_2:
0xcd: {  	(tag) =	ssettag $0x2  }
0xce: {  	s0 =	rddreg [dreg:$0x0];
	s2 =	stileid.u32  }
0xcf: {  	s1 =	rddreg [dreg:$0x1];
	p0 =	sne.s32 s2, $0x0  }
0xd0: {  	s3 =	rddreg [dreg:$0x2];
	[bflag:$0x3] =	sbarrier.arrive $0xFFFF;
	s2 =	simm.s32 @!p0 $0x1C02  }
0xd1: {  	[timem:s3], [sflag:s2] =	dma.local @!p0 [hbm:s0], s1  }
0xd2: {  	s0 =	simm.s32 @!p0 $0x2  }
0xd3: {  	_ =	swait.ge @!p0 [sflag:s0], s1  }
0xd4: {  	s1 =	ssub.s32 @!p0 $0x0, s1;
	[sflag:s0] =	ssyncset.done @!p0 $0x0  }
0xd5: {  	[sflag:s0] =	ssyncadd.s32 @!p0 s1  }
0xd6: {  	[bflag:$0x3] =	sbarrier.arrive $0xFFFF  }
0xd7: {  	_ =	shalt  }

</sc_bundles>
